<compile_context>
chip_gen: v7x
topology: tpu7x:2x2x1
jax: 0.10.2.dev20260603
libtpu: 0.0.44.dev20260713+nightly
codegen_flags: <defaults>
</compile_context>

<pallas_src>
import functools
import math

import jax
import jax.numpy as jnp
from jax import lax
from jax.experimental import pallas as pl
from jax.experimental.pallas import tpu as pltpu
from jax.experimental.pallas import tpu_sc as plsc

_NC, _NS, _LANES = 2, 16, 16
_NW = _NC * _NS
_NBUF = 8
_LOOKAHEAD = 4
_CHUNK = 80


def _build(n_rows: int, d: int):
    n_per_w = n_rows // _NW
    chunk = _CHUNK
    n_chunks = n_per_w // chunk
    assert n_chunks % _NBUF == 0 and n_per_w % chunk == 0
    scale = math.sqrt(d)
    mesh = plsc.VectorSubcoreMesh(core_axis_name="c", subcore_axis_name="s")

    @functools.partial(
        pl.kernel,
        mesh=mesh,
        out_type=jax.ShapeDtypeStruct((n_rows, d), jnp.float32),
        scratch_types=[
            pltpu.VMEM((n_per_w,), jnp.int32),
            pltpu.VMEM((_NBUF * chunk, d), jnp.float32),
            [pltpu.SemaphoreType.DMA] * _NBUF,
            [pltpu.SemaphoreType.DMA] * _NBUF,
        ],
    )
    def gather_scale(idx_hbm, table_hbm, out_hbm, idx_v, bufs, gsem, osem):
        wid = lax.axis_index("s") * _NC + lax.axis_index("c")
        base = wid * n_per_w
        pltpu.sync_copy(idx_hbm.at[pl.ds(base, n_per_w)], idx_v)

        def gather_descs(cid, b):
            off = cid * chunk
            buf0 = b * chunk
            descs = []
            p = 0
            while p < chunk:
                n = min(128, chunk - p)
                descs.append(
                    pltpu.make_async_copy(
                        table_hbm.at[idx_v.at[pl.ds(off + p, n)]],
                        bufs.at[pl.ds(buf0 + p, n)],
                        gsem[b],
                    )
                )
                p += n
            return descs

        def out_desc(cid, b):
            return pltpu.make_async_copy(
                bufs.at[pl.ds(b * chunk, chunk)],
                out_hbm.at[pl.ds(base + cid * chunk, chunk)],
                osem[b],
            )

        for c in range(_LOOKAHEAD):
            for g in gather_descs(c, c % _NBUF):
                g.start()

        @pl.loop(0, n_chunks, step=_NBUF)
        def _ring(ci):
            for b in range(_NBUF):
                cid = ci + b
                for g in gather_descs(cid, b):
                    g.wait()

                @pl.loop(0, chunk)
                def _row(r):
                    row = b * chunk + r
                    for j in range(d // _LANES):
                        sl = pl.ds(j * _LANES, _LANES)
                        bufs[row, sl] = bufs[row, sl] * scale

                out_desc(cid, b).start()

                nb_ = (b + _LOOKAHEAD) % _NBUF
                ncid = cid + _LOOKAHEAD

                @pl.when(jnp.logical_and(ncid >= _NBUF, ncid < n_chunks))
                def _():
                    out_desc(ncid - _NBUF, nb_).wait()

                @pl.when(ncid < n_chunks)
                def _():
                    for g in gather_descs(ncid, nb_):
                        g.start()

        for b in range(_NBUF):
            out_desc(n_chunks - _NBUF + b, b).wait()

    return gather_scale


def kernel(inputs, table):
    nb, l = inputs.shape
    v, d = table.shape
    idx = jnp.reshape(jnp.transpose(inputs), (l * nb,)).astype(jnp.int32)
    fn = _build(l * nb, d)
    out = fn(idx, table)
    return jnp.transpose(jnp.reshape(out, (l, nb, d)), (1, 0, 2))

# --- scband reference (transcript-rebuilt; emitter-appended) ---
"""Pipeline reference for scband-embedding-15848429322422 (READ-ONLY COPY).

The authoritative reference and input builder live on the scoring server;
editing this copy changes nothing except your own understanding.
"""

import jax, jax.numpy as jnp
import numpy as np
import math

VOCAB = 100000
UNITS = 128
B = 4096
L = 50

def setup_inputs(seed: int = 0) -> dict:
    key = jax.random.key(seed)
    k1, k2 = jax.random.split(key)
    inputs = jax.random.randint(k1, (B, L), 0, VOCAB, dtype=jnp.int64) if jax.config.jax_enable_x64 else jax.random.randint(k1, (B, L), 0, VOCAB, dtype=jnp.int32)
    table = jax.random.normal(k2, (VOCAB, UNITS), dtype=jnp.float32) * 0.05
    return {"inputs": inputs, "table": table}

def reference(inputs, table):
    scale = math.sqrt(UNITS)
    emb = jnp.take(table, inputs, axis=0)
    return emb * scale

if __name__ == "__main__":
    import jax
    _d = setup_inputs()
    print(jax.jit(kernel)(*tuple(_d.values())))

</pallas_src>

<mosaic_0001>
#map = affine_map<(d0, d1) -> (0)>
#map1 = affine_map<(d0, d1) -> (0, 0)>
module attributes {stable_mosaic.version = 14 : i64} {
  func.func @gather_scale(%arg0: i32, %arg1: i32, %arg2: memref<204800xi32, #tpu.memory_space<hbm>>, %arg3: memref<100000x128xf32, #tpu.memory_space<hbm>>, %arg4: memref<204800x128xf32, #tpu.memory_space<hbm>>, %arg5: memref<6400xi32, #tpu.memory_space<vmem>>, %arg6: memref<640x128xf32, #tpu.memory_space<vmem>>, %arg7: memref<!tpu.dma_semaphore, #tpu.memory_space<semaphore_mem>>, %arg8: memref<!tpu.dma_semaphore, #tpu.memory_space<semaphore_mem>>, %arg9: memref<!tpu.dma_semaphore, #tpu.memory_space<semaphore_mem>>, %arg10: memref<!tpu.dma_semaphore, #tpu.memory_space<semaphore_mem>>, %arg11: memref<!tpu.dma_semaphore, #tpu.memory_space<semaphore_mem>>, %arg12: memref<!tpu.dma_semaphore, #tpu.memory_space<semaphore_mem>>, %arg13: memref<!tpu.dma_semaphore, #tpu.memory_space<semaphore_mem>>, %arg14: memref<!tpu.dma_semaphore, #tpu.memory_space<semaphore_mem>>, %arg15: memref<!tpu.dma_semaphore, #tpu.memory_space<semaphore_mem>>, %arg16: memref<!tpu.dma_semaphore, #tpu.memory_space<semaphore_mem>>, %arg17: memref<!tpu.dma_semaphore, #tpu.memory_space<semaphore_mem>>, %arg18: memref<!tpu.dma_semaphore, #tpu.memory_space<semaphore_mem>>, %arg19: memref<!tpu.dma_semaphore, #tpu.memory_space<semaphore_mem>>, %arg20: memref<!tpu.dma_semaphore, #tpu.memory_space<semaphore_mem>>, %arg21: memref<!tpu.dma_semaphore, #tpu.memory_space<semaphore_mem>>, %arg22: memref<!tpu.dma_semaphore, #tpu.memory_space<semaphore_mem>>) attributes {dimension_semantics = [#tpu.dimension_semantics<core_parallel>, #tpu.dimension_semantics<subcore_parallel>], iteration_bounds = array<i64: 2, 16>, scalar_prefetch = 0 : i64, scratch_operands = 18 : i64, tpu.core_type = #tpu.core_type<sc_vector_subcore>, window_params = [{transform_indices = #map}, {transform_indices = #map1}, {transform_indices = #map1}]} {
    %mul3A = arith.constant 2 : i32
    %mul3A_0 = arith.muli %arg1, %mul3A : i32
    %add3A = arith.addi %mul3A_0, %arg0 : i32
    %mul3A_1 = arith.constant 6400 : i32
    %mul3A_2 = arith.muli %add3A, %mul3A_1 : i32
    "tpu.region"() ({
      %run_scoped3A = tpu.sem_alloc : memref<!tpu.dma_semaphore, #tpu.memory_space<semaphore_mem>>
      %dma_start3A_133 = tpu.memref_slice %arg2[%mul3A_2] : memref<204800xi32, #tpu.memory_space<hbm>> -> memref<6400xi32, #tpu.memory_space<hbm>>
      %dma_start3A_134 = tpu.memref_slice %arg2[%mul3A_2] : memref<204800xi32, #tpu.memory_space<hbm>> -> memref<6400xi32, #tpu.memory_space<hbm>>
      tpu.enqueue_dma source(%dma_start3A_134 : memref<6400xi32, #tpu.memory_space<hbm>>) target(%arg5 : memref<6400xi32, #tpu.memory_space<vmem>>) target_semaphore(%run_scoped3A : memref<!tpu.dma_semaphore, #tpu.memory_space<semaphore_mem>>)
      %dma_wait3A_135 = tpu.memref_slice %arg2[%mul3A_2] : memref<204800xi32, #tpu.memory_space<hbm>> -> memref<6400xi32, #tpu.memory_space<hbm>>
      %dma_wait3A_136 = tpu.memref_slice %arg2[%mul3A_2] : memref<204800xi32, #tpu.memory_space<hbm>> -> memref<6400xi32, #tpu.memory_space<hbm>>
      tpu.wait_dma2 semaphore(%run_scoped3A : memref<!tpu.dma_semaphore, #tpu.memory_space<semaphore_mem>>) src(%dma_wait3A_136 : memref<6400xi32, #tpu.memory_space<hbm>>) dst(%arg5 : memref<6400xi32, #tpu.memory_space<vmem>>)
      tpu.yield
    }) : () -> ()
    %dma_start3A = arith.constant 0 : i32
    %dma_start3A_3 = arith.constant 0 : i32
    %dma_start3A_4 = tpu.memref_slice %arg6[%dma_start3A, %dma_start3A_3] : memref<640x128xf32, #tpu.memory_space<vmem>> -> memref<80x128xf32, #tpu.memory_space<vmem>>
    %dma_start3A_5 = arith.constant 0 : i32
    %dma_start3A_6 = tpu.memref_slice %arg5[%dma_start3A_5] : memref<6400xi32, #tpu.memory_space<vmem>> -> memref<80xi32, #tpu.memory_space<vmem>>
    %dma_start3A_7 = arith.constant 0 : i32
    %dma_start3A_8 = arith.constant 0 : i32
    %dma_start3A_9 = tpu.memref_slice %arg3[%dma_start3A_7, %dma_start3A_8] : memref<100000x128xf32, #tpu.memory_space<hbm>> -> memref<100000x128xf32, #tpu.memory_space<hbm>>
    tpu.enqueue_indirect_dma source(%dma_start3A_9 : memref<100000x128xf32, #tpu.memory_space<hbm>>) target(%dma_start3A_4 : memref<80x128xf32, #tpu.memory_space<vmem>>) offsets(%dma_start3A_6 : memref<80xi32, #tpu.memory_space<vmem>>) semaphore(%arg7 : memref<!tpu.dma_semaphore, #tpu.memory_space<semaphore_mem>>)
    %dma_start3A_10 = arith.constant 80 : i32
    %dma_start3A_11 = arith.constant 0 : i32
    %dma_start3A_12 = tpu.memref_slice %arg6[%dma_start3A_10, %dma_start3A_11] : memref<640x128xf32, #tpu.memory_space<vmem>> -> memref<80x128xf32, #tpu.memory_space<vmem>>
    %dma_start3A_13 = arith.constant 80 : i32
    %dma_start3A_14 = tpu.memref_slice %arg5[%dma_start3A_13] : memref<6400xi32, #tpu.memory_space<vmem>> -> memref<80xi32, #tpu.memory_space<vmem>>
    %dma_start3A_15 = arith.constant 0 : i32
    %dma_start3A_16 = arith.constant 0 : i32
    %dma_start3A_17 = tpu.memref_slice %arg3[%dma_start3A_15, %dma_start3A_16] : memref<100000x128xf32, #tpu.memory_space<hbm>> -> memref<100000x128xf32, #tpu.memory_space<hbm>>
    tpu.enqueue_indirect_dma source(%dma_start3A_17 : memref<100000x128xf32, #tpu.memory_space<hbm>>) target(%dma_start3A_12 : memref<80x128xf32, #tpu.memory_space<vmem>>) offsets(%dma_start3A_14 : memref<80xi32, #tpu.memory_space<vmem>>) semaphore(%arg8 : memref<!tpu.dma_semaphore, #tpu.memory_space<semaphore_mem>>)
    %dma_start3A_18 = arith.constant 160 : i32
    %dma_start3A_19 = arith.constant 0 : i32
    %dma_start3A_20 = tpu.memref_slice %arg6[%dma_start3A_18, %dma_start3A_19] : memref<640x128xf32, #tpu.memory_space<vmem>> -> memref<80x128xf32, #tpu.memory_space<vmem>>
    %dma_start3A_21 = arith.constant 160 : i32
    %dma_start3A_22 = tpu.memref_slice %arg5[%dma_start3A_21] : memref<6400xi32, #tpu.memory_space<vmem>> -> memref<80xi32, #tpu.memory_space<vmem>>
    %dma_start3A_23 = arith.constant 0 : i32
    %dma_start3A_24 = arith.constant 0 : i32
    %dma_start3A_25 = tpu.memref_slice %arg3[%dma_start3A_23, %dma_start3A_24] : memref<100000x128xf32, #tpu.memory_space<hbm>> -> memref<100000x128xf32, #tpu.memory_space<hbm>>
    tpu.enqueue_indirect_dma source(%dma_start3A_25 : memref<100000x128xf32, #tpu.memory_space<hbm>>) target(%dma_start3A_20 : memref<80x128xf32, #tpu.memory_space<vmem>>) offsets(%dma_start3A_22 : memref<80xi32, #tpu.memory_space<vmem>>) semaphore(%arg9 : memref<!tpu.dma_semaphore, #tpu.memory_space<semaphore_mem>>)
    %dma_start3A_26 = arith.constant 240 : i32
    %dma_start3A_27 = arith.constant 0 : i32
    %dma_start3A_28 = tpu.memref_slice %arg6[%dma_start3A_26, %dma_start3A_27] : memref<640x128xf32, #tpu.memory_space<vmem>> -> memref<80x128xf32, #tpu.memory_space<vmem>>
    %dma_start3A_29 = arith.constant 240 : i32
    %dma_start3A_30 = tpu.memref_slice %arg5[%dma_start3A_29] : memref<6400xi32, #tpu.memory_space<vmem>> -> memref<80xi32, #tpu.memory_space<vmem>>
    %dma_start3A_31 = arith.constant 0 : i32
    %dma_start3A_32 = arith.constant 0 : i32
    %dma_start3A_33 = tpu.memref_slice %arg3[%dma_start3A_31, %dma_start3A_32] : memref<100000x128xf32, #tpu.memory_space<hbm>> -> memref<100000x128xf32, #tpu.memory_space<hbm>>
    tpu.enqueue_indirect_dma source(%dma_start3A_33 : memref<100000x128xf32, #tpu.memory_space<hbm>>) target(%dma_start3A_28 : memref<80x128xf32, #tpu.memory_space<vmem>>) offsets(%dma_start3A_30 : memref<80xi32, #tpu.memory_space<vmem>>) semaphore(%arg10 : memref<!tpu.dma_semaphore, #tpu.memory_space<semaphore_mem>>)
    %scan3A = arith.constant 0 : i32
    %scan3A_34 = arith.constant 10 : i32
    %scan3A_35 = arith.addi %scan3A, %scan3A_34 : i32
    %scan3A_36 = arith.constant 1 : i32
    scf.for %scan3A_133 = %scan3A to %scan3A_35 step %scan3A_36  : i32 {
      %mul3A_134 = arith.constant 8 : i32
      %mul3A_135 = arith.muli %scan3A_133, %mul3A_134 : i32
      %add3A_136 = arith.constant 0 : i32
      %add3A_137 = arith.addi %add3A_136, %mul3A_135 : i32
      %add3A_138 = arith.constant 0 : i32
      %add3A_139 = arith.addi %add3A_137, %add3A_138 : i32
      %mul3A_140 = arith.constant 80 : i32
      %mul3A_141 = arith.muli %add3A_139, %mul3A_140 : i32
      %add3A_142 = arith.constant 0 : i32
      %add3A_143 = arith.addi %mul3A_141, %add3A_142 : i32
      %dma_wait3A_144 = arith.constant 0 : i32
      %dma_wait3A_145 = arith.constant 0 : i32
      %dma_wait3A_146 = tpu.memref_slice %arg6[%dma_wait3A_144, %dma_wait3A_145] : memref<640x128xf32, #tpu.memory_space<vmem>> -> memref<80x128xf32, #tpu.memory_space<vmem>>
      %dma_wait3A_147 = tpu.memref_slice %arg5[%add3A_143] : memref<6400xi32, #tpu.memory_space<vmem>> -> memref<80xi32, #tpu.memory_space<vmem>>
      %dma_wait3A_148 = arith.constant 0 : i32
      %dma_wait3A_149 = arith.constant 0 : i32
      %dma_wait3A_150 = tpu.memref_slice %arg3[%dma_wait3A_148, %dma_wait3A_149] : memref<100000x128xf32, #tpu.memory_space<hbm>> -> memref<100000x128xf32, #tpu.memory_space<hbm>>
      tpu.wait_indirect_dma semaphore(%arg7 : memref<!tpu.dma_semaphore, #tpu.memory_space<semaphore_mem>>) src(%dma_wait3A_150 : memref<100000x128xf32, #tpu.memory_space<hbm>>) dst(%dma_wait3A_146 : memref<80x128xf32, #tpu.memory_space<vmem>>)
      %scan3A_151 = arith.constant 0 : i32
      %scan3A_152 = arith.constant 80 : i32
      %scan3A_153 = arith.addi %scan3A_151, %scan3A_152 : i32
      %scan3A_154 = arith.constant 1 : i32
      scf.for %scan3A_501 = %scan3A_151 to %scan3A_153 step %scan3A_154  : i32 {
        %mul3A_502 = arith.constant 1 : i32
        %mul3A_503 = arith.muli %scan3A_501, %mul3A_502 : i32
        %add3A_504 = arith.constant 0 : i32
        %add3A_505 = arith.addi %add3A_504, %mul3A_503 : i32
        %add3A_506 = arith.constant 0 : i32
        %add3A_507 = arith.addi %add3A_506, %add3A_505 : i32
        %get3A = arith.index_cast %add3A_507 : i32 to index
        %get3A_508 = arith.constant 0 : index
        %get3A_509 = tpu.vector_load %arg6[%get3A, %get3A_508] {strides = array<i32>} : memref<640x128xf32, #tpu.memory_space<vmem>>, vector<1x16xf32>,
        %get3A_510 = vector.shape_cast %get3A_509 : vector<1x16xf32> to vector<16xf32>
        %mul3A_511 = arith.constant 11.3137083 : f32
        %mul3A_512 = vector.broadcast %mul3A_511 : f32 to vector<16xf32>
        %mul3A_513 = arith.mulf %get3A_510, %mul3A_512 : vector<16xf32>
        %swap3A = arith.index_cast %add3A_507 : i32 to index
        %swap3A_514 = arith.constant 0 : index
        %swap3A_515 = tpu.vector_load %arg6[%swap3A, %swap3A_514] {strides = array<i32>} : memref<640x128xf32, #tpu.memory_space<vmem>>, vector<1x16xf32>,
        %swap3A_516 = vector.shape_cast %swap3A_515 : vector<1x16xf32> to vector<16xf32>
        %swap3A_517 = vector.shape_cast %mul3A_513 : vector<16xf32> to vector<1x16xf32>
        tpu.vector_store %arg6[%swap3A, %swap3A_514], %swap3A_517 {strides = array<i32>} : memref<640x128xf32, #tpu.memory_space<vmem>>, vector<1x16xf32>,
        %get3A_518 = arith.index_cast %add3A_507 : i32 to index
        %get3A_519 = arith.constant 16 : index
        %get3A_520 = tpu.vector_load %arg6[%get3A_518, %get3A_519] {strides = array<i32>} : memref<640x128xf32, #tpu.memory_space<vmem>>, vector<1x16xf32>,
        %get3A_521 = vector.shape_cast %get3A_520 : vector<1x16xf32> to vector<16xf32>
        %mul3A_522 = arith.constant 11.3137083 : f32
        %mul3A_523 = vector.broadcast %mul3A_522 : f32 to vector<16xf32>
        %mul3A_524 = arith.mulf %get3A_521, %mul3A_523 : vector<16xf32>
        %swap3A_525 = arith.index_cast %add3A_507 : i32 to index
        %swap3A_526 = arith.constant 16 : index
        %swap3A_527 = tpu.vector_load %arg6[%swap3A_525, %swap3A_526] {strides = array<i32>} : memref<640x128xf32, #tpu.memory_space<vmem>>, vector<1x16xf32>,
        %swap3A_528 = vector.shape_cast %swap3A_527 : vector<1x16xf32> to vector<16xf32>
        %swap3A_529 = vector.shape_cast %mul3A_524 : vector<16xf32> to vector<1x16xf32>
        tpu.vector_store %arg6[%swap3A_525, %swap3A_526], %swap3A_529 {strides = array<i32>} : memref<640x128xf32, #tpu.memory_space<vmem>>, vector<1x16xf32>,
        %get3A_530 = arith.index_cast %add3A_507 : i32 to index
        %get3A_531 = arith.constant 32 : index
        %get3A_532 = tpu.vector_load %arg6[%get3A_530, %get3A_531] {strides = array<i32>} : memref<640x128xf32, #tpu.memory_space<vmem>>, vector<1x16xf32>,
        %get3A_533 = vector.shape_cast %get3A_532 : vector<1x16xf32> to vector<16xf32>
        %mul3A_534 = arith.constant 11.3137083 : f32
        %mul3A_535 = vector.broadcast %mul3A_534 : f32 to vector<16xf32>
        %mul3A_536 = arith.mulf %get3A_533, %mul3A_535 : vector<16xf32>
        %swap3A_537 = arith.index_cast %add3A_507 : i32 to index
        %swap3A_538 = arith.constant 32 : index
        %swap3A_539 = tpu.vector_load %arg6[%swap3A_537, %swap3A_538] {strides = array<i32>} : memref<640x128xf32, #tpu.memory_space<vmem>>, vector<1x16xf32>,
        %swap3A_540 = vector.shape_cast %swap3A_539 : vector<1x16xf32> to vector<16xf32>
        %swap3A_541 = vector.shape_cast %mul3A_536 : vector<16xf32> to vector<1x16xf32>
        tpu.vector_store %arg6[%swap3A_537, %swap3A_538], %swap3A_541 {strides = array<i32>} : memref<640x128xf32, #tpu.memory_space<vmem>>, vector<1x16xf32>,
        %get3A_542 = arith.index_cast %add3A_507 : i32 to index
        %get3A_543 = arith.constant 48 : index
        %get3A_544 = tpu.vector_load %arg6[%get3A_542, %get3A_543] {strides = array<i32>} : memref<640x128xf32, #tpu.memory_space<vmem>>, vector<1x16xf32>,
        %get3A_545 = vector.shape_cast %get3A_544 : vector<1x16xf32> to vector<16xf32>
        %mul3A_546 = arith.constant 11.3137083 : f32
        %mul3A_547 = vector.broadcast %mul3A_546 : f32 to vector<16xf32>
        %mul3A_548 = arith.mulf %get3A_545, %mul3A_547 : vector<16xf32>
        %swap3A_549 = arith.index_cast %add3A_507 : i32 to index
        %swap3A_550 = arith.constant 48 : index
        %swap3A_551 = tpu.vector_load %arg6[%swap3A_549, %swap3A_550] {strides = array<i32>} : memref<640x128xf32, #tpu.memory_space<vmem>>, vector<1x16xf32>,
        %swap3A_552 = vector.shape_cast %swap3A_551 : vector<1x16xf32> to vector<16xf32>
        %swap3A_553 = vector.shape_cast %mul3A_548 : vector<16xf32> to vector<1x16xf32>
        tpu.vector_store %arg6[%swap3A_549, %swap3A_550], %swap3A_553 {strides = array<i32>} : memref<640x128xf32, #tpu.memory_space<vmem>>, vector<1x16xf32>,
        %get3A_554 = arith.index_cast %add3A_507 : i32 to index
        %get3A_555 = arith.constant 64 : index
        %get3A_556 = tpu.vector_load %arg6[%get3A_554, %get3A_555] {strides = array<i32>} : memref<640x128xf32, #tpu.memory_space<vmem>>, vector<1x16xf32>,
        %get3A_557 = vector.shape_cast %get3A_556 : vector<1x16xf32> to vector<16xf32>
        %mul3A_558 = arith.constant 11.3137083 : f32
        %mul3A_559 = vector.broadcast %mul3A_558 : f32 to vector<16xf32>
        %mul3A_560 = arith.mulf %get3A_557, %mul3A_559 : vector<16xf32>
        %swap3A_561 = arith.index_cast %add3A_507 : i32 to index
        %swap3A_562 = arith.constant 64 : index
        %swap3A_563 = tpu.vector_load %arg6[%swap3A_561, %swap3A_562] {strides = array<i32>} : memref<640x128xf32, #tpu.memory_space<vmem>>, vector<1x16xf32>,
        %swap3A_564 = vector.shape_cast %swap3A_563 : vector<1x16xf32> to vector<16xf32>
        %swap3A_565 = vector.shape_cast %mul3A_560 : vector<16xf32> to vector<1x16xf32>
        tpu.vector_store %arg6[%swap3A_561, %swap3A_562], %swap3A_565 {strides = array<i32>} : memref<640x128xf32, #tpu.memory_space<vmem>>, vector<1x16xf32>,
        %get3A_566 = arith.index_cast %add3A_507 : i32 to index
        %get3A_567 = arith.constant 80 : index
        %get3A_568 = tpu.vector_load %arg6[%get3A_566, %get3A_567] {strides = array<i32>} : memref<640x128xf32, #tpu.memory_space<vmem>>, vector<1x16xf32>,
        %get3A_569 = vector.shape_cast %get3A_568 : vector<1x16xf32> to vector<16xf32>
        %mul3A_570 = arith.constant 11.3137083 : f32
        %mul3A_571 = vector.broadcast %mul3A_570 : f32 to vector<16xf32>
        %mul3A_572 = arith.mulf %get3A_569, %mul3A_571 : vector<16xf32>
        %swap3A_573 = arith.index_cast %add3A_507 : i32 to index
        %swap3A_574 = arith.constant 80 : index
        %swap3A_575 = tpu.vector_load %arg6[%swap3A_573, %swap3A_574] {strides = array<i32>} : memref<640x128xf32, #tpu.memory_space<vmem>>, vector<1x16xf32>,
        %swap3A_576 = vector.shape_cast %swap3A_575 : vector<1x16xf32> to vector<16xf32>
        %swap3A_577 = vector.shape_cast %mul3A_572 : vector<16xf32> to vector<1x16xf32>
        tpu.vector_store %arg6[%swap3A_573, %swap3A_574], %swap3A_577 {strides = array<i32>} : memref<640x128xf32, #tpu.memory_space<vmem>>, vector<1x16xf32>,
        %get3A_578 = arith.index_cast %add3A_507 : i32 to index
        %get3A_579 = arith.constant 96 : index
        %get3A_580 = tpu.vector_load %arg6[%get3A_578, %get3A_579] {strides = array<i32>} : memref<640x128xf32, #tpu.memory_space<vmem>>, vector<1x16xf32>,
        %get3A_581 = vector.shape_cast %get3A_580 : vector<1x16xf32> to vector<16xf32>
        %mul3A_582 = arith.constant 11.3137083 : f32
        %mul3A_583 = vector.broadcast %mul3A_582 : f32 to vector<16xf32>
        %mul3A_584 = arith.mulf %get3A_581, %mul3A_583 : vector<16xf32>
        %swap3A_585 = arith.index_cast %add3A_507 : i32 to index
        %swap3A_586 = arith.constant 96 : index
        %swap3A_587 = tpu.vector_load %arg6[%swap3A_585, %swap3A_586] {strides = array<i32>} : memref<640x128xf32, #tpu.memory_space<vmem>>, vector<1x16xf32>,
        %swap3A_588 = vector.shape_cast %swap3A_587 : vector<1x16xf32> to vector<16xf32>
        %swap3A_589 = vector.shape_cast %mul3A_584 : vector<16xf32> to vector<1x16xf32>
        tpu.vector_store %arg6[%swap3A_585, %swap3A_586], %swap3A_589 {strides = array<i32>} : memref<640x128xf32, #tpu.memory_space<vmem>>, vector<1x16xf32>,
        %get3A_590 = arith.index_cast %add3A_507 : i32 to index
        %get3A_591 = arith.constant 112 : index
        %get3A_592 = tpu.vector_load %arg6[%get3A_590, %get3A_591] {strides = array<i32>} : memref<640x128xf32, #tpu.memory_space<vmem>>, vector<1x16xf32>,
        %get3A_593 = vector.shape_cast %get3A_592 : vector<1x16xf32> to vector<16xf32>
        %mul3A_594 = arith.constant 11.3137083 : f32
        %mul3A_595 = vector.broadcast %mul3A_594 : f32 to vector<16xf32>
        %mul3A_596 = arith.mulf %get3A_593, %mul3A_595 : vector<16xf32>
        %swap3A_597 = arith.index_cast %add3A_507 : i32 to index
        %swap3A_598 = arith.constant 112 : index
        %swap3A_599 = tpu.vector_load %arg6[%swap3A_597, %swap3A_598] {strides = array<i32>} : memref<640x128xf32, #tpu.memory_space<vmem>>, vector<1x16xf32>,
        %swap3A_600 = vector.shape_cast %swap3A_599 : vector<1x16xf32> to vector<16xf32>
        %swap3A_601 = vector.shape_cast %mul3A_596 : vector<16xf32> to vector<1x16xf32>
        tpu.vector_store %arg6[%swap3A_597, %swap3A_598], %swap3A_601 {strides = array<i32>} : memref<640x128xf32, #tpu.memory_space<vmem>>, vector<1x16xf32>,
      }
      %scan3A_155 = arith.constant 80 : i32
      %mul3A_156 = arith.constant 80 : i32
      %mul3A_157 = arith.muli %add3A_139, %mul3A_156 : i32
      %add3A_158 = arith.addi %mul3A_2, %mul3A_157 : i32
      %dma_start3A_159 = arith.constant 0 : i32
      %dma_start3A_160 = arith.constant 0 : i32
      %dma_start3A_161 = tpu.memref_slice %arg6[%dma_start3A_159, %dma_start3A_160] : memref<640x128xf32, #tpu.memory_space<vmem>> -> memref<80x128xf32, #tpu.memory_space<vmem>>
      %dma_start3A_162 = arith.constant 0 : i32
      %dma_start3A_163 = tpu.memref_slice %arg4[%add3A_158, %dma_start3A_162] : memref<204800x128xf32, #tpu.memory_space<hbm>> -> memref<80x128xf32, #tpu.memory_space<hbm>>
      %dma_start3A_164 = arith.constant 0 : i32
      %dma_start3A_165 = tpu.memref_slice %arg4[%add3A_158, %dma_start3A_164] : memref<204800x128xf32, #tpu.memory_space<hbm>> -> memref<80x128xf32, #tpu.memory_space<hbm>>
      %dma_start3A_166 = arith.constant 0 : i32
      %dma_start3A_167 = arith.constant 0 : i32
      %dma_start3A_168 = tpu.memref_slice %arg6[%dma_start3A_166, %dma_start3A_167] : memref<640x128xf32, #tpu.memory_space<vmem>> -> memref<80x128xf32, #tpu.memory_space<vmem>>
      tpu.enqueue_dma source(%dma_start3A_168 : memref<80x128xf32, #tpu.memory_space<vmem>>) target(%dma_start3A_165 : memref<80x128xf32, #tpu.memory_space<hbm>>) target_semaphore(%arg15 : memref<!tpu.dma_semaphore, #tpu.memory_space<semaphore_mem>>)
      %add3A_169 = arith.constant 4 : i32
      %add3A_170 = arith.addi %add3A_139, %add3A_169 : i32
      %ge3A = arith.constant 8 : i32
      %ge3A_171 = arith.cmpi sge, %add3A_170, %ge3A : i32
      %lt3A = arith.constant 80 : i32
      %lt3A_172 = arith.cmpi slt, %add3A_170, %lt3A : i32
      %and3A = arith.andi %ge3A_171, %lt3A_172 : i1
      %convert_element_type3A = arith.extui %and3A : i1 to i32
      %cond3A = arith.constant 0 : i32
      %cond3A_173 = arith.cmpi ne, %convert_element_type3A, %cond3A : i32
      scf.if %cond3A_173 {
        %sub3A = arith.constant 8 : i32
        %sub3A_501 = arith.subi %add3A_170, %sub3A : i32
        %mul3A_502 = arith.constant 80 : i32
        %mul3A_503 = arith.muli %sub3A_501, %mul3A_502 : i32
        %add3A_504 = arith.addi %mul3A_2, %mul3A_503 : i32
        %dma_wait3A_505 = arith.constant 320 : i32
        %dma_wait3A_506 = arith.constant 0 : i32
        %dma_wait3A_507 = tpu.memref_slice %arg6[%dma_wait3A_505, %dma_wait3A_506] : memref<640x128xf32, #tpu.memory_space<vmem>> -> memref<80x128xf32, #tpu.memory_space<vmem>>
        %dma_wait3A_508 = arith.constant 0 : i32
        %dma_wait3A_509 = tpu.memref_slice %arg4[%add3A_504, %dma_wait3A_508] : memref<204800x128xf32, #tpu.memory_space<hbm>> -> memref<80x128xf32, #tpu.memory_space<hbm>>
        %dma_wait3A_510 = arith.constant 0 : i32
        %dma_wait3A_511 = tpu.memref_slice %arg4[%add3A_504, %dma_wait3A_510] : memref<204800x128xf32, #tpu.memory_space<hbm>> -> memref<80x128xf32, #tpu.memory_space<hbm>>
        %dma_wait3A_512 = arith.constant 320 : i32
        %dma_wait3A_513 = arith.constant 0 : i32
        %dma_wait3A_514 = tpu.memref_slice %arg6[%dma_wait3A_512, %dma_wait3A_513] : memref<640x128xf32, #tpu.memory_space<vmem>> -> memref<80x128xf32, #tpu.memory_space<vmem>>
        tpu.wait_dma2 semaphore(%arg19 : memref<!tpu.dma_semaphore, #tpu.memory_space<semaphore_mem>>) src(%dma_wait3A_514 : memref<80x128xf32, #tpu.memory_space<vmem>>) dst(%dma_wait3A_511 : memref<80x128xf32, #tpu.memory_space<hbm>>)
      } else {
      }
      %lt3A_174 = arith.constant 80 : i32
      %lt3A_175 = arith.cmpi slt, %add3A_170, %lt3A_174 : i32
      %convert_element_type3A_176 = arith.extui %lt3A_175 : i1 to i32
      %cond3A_177 = arith.constant 0 : i32
      %cond3A_178 = arith.cmpi ne, %convert_element_type3A_176, %cond3A_177 : i32
      scf.if %cond3A_178 {
        %mul3A_501 = arith.constant 80 : i32
        %mul3A_502 = arith.muli %add3A_170, %mul3A_501 : i32
        %add3A_503 = arith.constant 0 : i32
        %add3A_504 = arith.addi %mul3A_502, %add3A_503 : i32
        %dma_start3A_505 = arith.constant 320 : i32
        %dma_start3A_506 = arith.constant 0 : i32
        %dma_start3A_507 = tpu.memref_slice %arg6[%dma_start3A_505, %dma_start3A_506] : memref<640x128xf32, #tpu.memory_space<vmem>> -> memref<80x128xf32, #tpu.memory_space<vmem>>
        %dma_start3A_508 = tpu.memref_slice %arg5[%add3A_504] : memref<6400xi32, #tpu.memory_space<vmem>> -> memref<80xi32, #tpu.memory_space<vmem>>
        %dma_start3A_509 = arith.constant 0 : i32
        %dma_start3A_510 = arith.constant 0 : i32
        %dma_start3A_511 = tpu.memref_slice %arg3[%dma_start3A_509, %dma_start3A_510] : memref<100000x128xf32, #tpu.memory_space<hbm>> -> memref<100000x128xf32, #tpu.memory_space<hbm>>
        tpu.enqueue_indirect_dma source(%dma_start3A_511 : memref<100000x128xf32, #tpu.memory_space<hbm>>) target(%dma_start3A_507 : memref<80x128xf32, #tpu.memory_space<vmem>>) offsets(%dma_start3A_508 : memref<80xi32, #tpu.memory_space<vmem>>) semaphore(%arg11 : memref<!tpu.dma_semaphore, #tpu.memory_space<semaphore_mem>>)
      } else {
      }
      %add3A_179 = arith.constant 1 : i32
      %add3A_180 = arith.addi %add3A_137, %add3A_179 : i32
      %mul3A_181 = arith.constant 80 : i32
      %mul3A_182 = arith.muli %add3A_180, %mul3A_181 : i32
      %add3A_183 = arith.constant 0 : i32
      %add3A_184 = arith.addi %mul3A_182, %add3A_183 : i32
      %dma_wait3A_185 = arith.constant 80 : i32
      %dma_wait3A_186 = arith.constant 0 : i32
      %dma_wait3A_187 = tpu.memref_slice %arg6[%dma_wait3A_185, %dma_wait3A_186] : memref<640x128xf32, #tpu.memory_space<vmem>> -> memref<80x128xf32, #tpu.memory_space<vmem>>
      %dma_wait3A_188 = tpu.memref_slice %arg5[%add3A_184] : memref<6400xi32, #tpu.memory_space<vmem>> -> memref<80xi32, #tpu.memory_space<vmem>>
      %dma_wait3A_189 = arith.constant 0 : i32
      %dma_wait3A_190 = arith.constant 0 : i32
      %dma_wait3A_191 = tpu.memref_slice %arg3[%dma_wait3A_189, %dma_wait3A_190] : memref<100000x128xf32, #tpu.memory_space<hbm>> -> memref<100000x128xf32, #tpu.memory_space<hbm>>
      tpu.wait_indirect_dma semaphore(%arg8 : memref<!tpu.dma_semaphore, #tpu.memory_space<semaphore_mem>>) src(%dma_wait3A_191 : memref<100000x128xf32, #tpu.memory_space<hbm>>) dst(%dma_wait3A_187 : memref<80x128xf32, #tpu.memory_space<vmem>>)
      %scan3A_192 = arith.constant 0 : i32
      %scan3A_193 = arith.constant 80 : i32
      %scan3A_194 = arith.addi %scan3A_192, %scan3A_193 : i32
      %scan3A_195 = arith.constant 1 : i32
      scf.for %scan3A_501 = %scan3A_192 to %scan3A_194 step %scan3A_195  : i32 {
        %mul3A_502 = arith.constant 1 : i32
        %mul3A_503 = arith.muli %scan3A_501, %mul3A_502 : i32
        %add3A_504 = arith.constant 0 : i32
        %add3A_505 = arith.addi %add3A_504, %mul3A_503 : i32
        %add3A_506 = arith.constant 80 : i32
        %add3A_507 = arith.addi %add3A_506, %add3A_505 : i32
        %get3A = arith.index_cast %add3A_507 : i32 to index
        %get3A_508 = arith.constant 0 : index
        %get3A_509 = tpu.vector_load %arg6[%get3A, %get3A_508] {strides = array<i32>} : memref<640x128xf32, #tpu.memory_space<vmem>>, vector<1x16xf32>,
        %get3A_510 = vector.shape_cast %get3A_509 : vector<1x16xf32> to vector<16xf32>
        %mul3A_511 = arith.constant 11.3137083 : f32
        %mul3A_512 = vector.broadcast %mul3A_511 : f32 to vector<16xf32>
        %mul3A_513 = arith.mulf %get3A_510, %mul3A_512 : vector<16xf32>
        %swap3A = arith.index_cast %add3A_507 : i32 to index
        %swap3A_514 = arith.constant 0 : index
        %swap3A_515 = tpu.vector_load %arg6[%swap3A, %swap3A_514] {strides = array<i32>} : memref<640x128xf32, #tpu.memory_space<vmem>>, vector<1x16xf32>,
        %swap3A_516 = vector.shape_cast %swap3A_515 : vector<1x16xf32> to vector<16xf32>
        %swap3A_517 = vector.shape_cast %mul3A_513 : vector<16xf32> to vector<1x16xf32>
        tpu.vector_store %arg6[%swap3A, %swap3A_514], %swap3A_517 {strides = array<i32>} : memref<640x128xf32, #tpu.memory_space<vmem>>, vector<1x16xf32>,
        %get3A_518 = arith.index_cast %add3A_507 : i32 to index
        %get3A_519 = arith.constant 16 : index
        %get3A_520 = tpu.vector_load %arg6[%get3A_518, %get3A_519] {strides = array<i32>} : memref<640x128xf32, #tpu.memory_space<vmem>>, vector<1x16xf32>,
        %get3A_521 = vector.shape_cast %get3A_520 : vector<1x16xf32> to vector<16xf32>
        %mul3A_522 = arith.constant 11.3137083 : f32
        %mul3A_523 = vector.broadcast %mul3A_522 : f32 to vector<16xf32>
        %mul3A_524 = arith.mulf %get3A_521, %mul3A_523 : vector<16xf32>
        %swap3A_525 = arith.index_cast %add3A_507 : i32 to index
        %swap3A_526 = arith.constant 16 : index
        %swap3A_527 = tpu.vector_load %arg6[%swap3A_525, %swap3A_526] {strides = array<i32>} : memref<640x128xf32, #tpu.memory_space<vmem>>, vector<1x16xf32>,
        %swap3A_528 = vector.shape_cast %swap3A_527 : vector<1x16xf32> to vector<16xf32>
        %swap3A_529 = vector.shape_cast %mul3A_524 : vector<16xf32> to vector<1x16xf32>
        tpu.vector_store %arg6[%swap3A_525, %swap3A_526], %swap3A_529 {strides = array<i32>} : memref<640x128xf32, #tpu.memory_space<vmem>>, vector<1x16xf32>,
        %get3A_530 = arith.index_cast %add3A_507 : i32 to index
        %get3A_531 = arith.constant 32 : index
        %get3A_532 = tpu.vector_load %arg6[%get3A_530, %get3A_531] {strides = array<i32>} : memref<640x128xf32, #tpu.memory_space<vmem>>, vector<1x16xf32>,
        %get3A_533 = vector.shape_cast %get3A_532 : vector<1x16xf32> to vector<16xf32>
        %mul3A_534 = arith.constant 11.3137083 : f32
        %mul3A_535 = vector.broadcast %mul3A_534 : f32 to vector<16xf32>
        %mul3A_536 = arith.mulf %get3A_533, %mul3A_535 : vector<16xf32>
        %swap3A_537 = arith.index_cast %add3A_507 : i32 to index
        %swap3A_538 = arith.constant 32 : index
        %swap3A_539 = tpu.vector_load %arg6[%swap3A_537, %swap3A_538] {strides = array<i32>} : memref<640x128xf32, #tpu.memory_space<vmem>>, vector<1x16xf32>,
        %swap3A_540 = vector.shape_cast %swap3A_539 : vector<1x16xf32> to vector<16xf32>
        %swap3A_541 = vector.shape_cast %mul3A_536 : vector<16xf32> to vector<1x16xf32>
        tpu.vector_store %arg6[%swap3A_537, %swap3A_538], %swap3A_541 {strides = array<i32>} : memref<640x128xf32, #tpu.memory_space<vmem>>, vector<1x16xf32>,
        %get3A_542 = arith.index_cast %add3A_507 : i32 to index
        %get3A_543 = arith.constant 48 : index
        %get3A_544 = tpu.vector_load %arg6[%get3A_542, %get3A_543] {strides = array<i32>} : memref<640x128xf32, #tpu.memory_space<vmem>>, vector<1x16xf32>,
        %get3A_545 = vector.shape_cast %get3A_544 : vector<1x16xf32> to vector<16xf32>
        %mul3A_546 = arith.constant 11.3137083 : f32
        %mul3A_547 = vector.broadcast %mul3A_546 : f32 to vector<16xf32>
        %mul3A_548 = arith.mulf %get3A_545, %mul3A_547 : vector<16xf32>
        %swap3A_549 = arith.index_cast %add3A_507 : i32 to index
        %swap3A_550 = arith.constant 48 : index
        %swap3A_551 = tpu.vector_load %arg6[%swap3A_549, %swap3A_550] {strides = array<i32>} : memref<640x128xf32, #tpu.memory_space<vmem>>, vector<1x16xf32>,
        %swap3A_552 = vector.shape_cast %swap3A_551 : vector<1x16xf32> to vector<16xf32>
        %swap3A_553 = vector.shape_cast %mul3A_548 : vector<16xf32> to vector<1x16xf32>
        tpu.vector_store %arg6[%swap3A_549, %swap3A_550], %swap3A_553 {strides = array<i32>} : memref<640x128xf32, #tpu.memory_space<vmem>>, vector<1x16xf32>,
        %get3A_554 = arith.index_cast %add3A_507 : i32 to index
        %get3A_555 = arith.constant 64 : index
        %get3A_556 = tpu.vector_load %arg6[%get3A_554, %get3A_555] {strides = array<i32>} : memref<640x128xf32, #tpu.memory_space<vmem>>, vector<1x16xf32>,
        %get3A_557 = vector.shape_cast %get3A_556 : vector<1x16xf32> to vector<16xf32>
        %mul3A_558 = arith.constant 11.3137083 : f32
        %mul3A_559 = vector.broadcast %mul3A_558 : f32 to vector<16xf32>
        %mul3A_560 = arith.mulf %get3A_557, %mul3A_559 : vector<16xf32>
        %swap3A_561 = arith.index_cast %add3A_507 : i32 to index
        %swap3A_562 = arith.constant 64 : index
        %swap3A_563 = tpu.vector_load %arg6[%swap3A_561, %swap3A_562] {strides = array<i32>} : memref<640x128xf32, #tpu.memory_space<vmem>>, vector<1x16xf32>,
        %swap3A_564 = vector.shape_cast %swap3A_563 : vector<1x16xf32> to vector<16xf32>
        %swap3A_565 = vector.shape_cast %mul3A_560 : vector<16xf32> to vector<1x16xf32>
        tpu.vector_store %arg6[%swap3A_561, %swap3A_562], %swap3A_565 {strides = array<i32>} : memref<640x128xf32, #tpu.memory_space<vmem>>, vector<1x16xf32>,
        %get3A_566 = arith.index_cast %add3A_507 : i32 to index
        %get3A_567 = arith.constant 80 : index
        %get3A_568 = tpu.vector_load %arg6[%get3A_566, %get3A_567] {strides = array<i32>} : memref<640x128xf32, #tpu.memory_space<vmem>>, vector<1x16xf32>,
        %get3A_569 = vector.shape_cast %get3A_568 : vector<1x16xf32> to vector<16xf32>
        %mul3A_570 = arith.constant 11.3137083 : f32
        %mul3A_571 = vector.broadcast %mul3A_570 : f32 to vector<16xf32>
        %mul3A_572 = arith.mulf %get3A_569, %mul3A_571 : vector<16xf32>
        %swap3A_573 = arith.index_cast %add3A_507 : i32 to index
        %swap3A_574 = arith.constant 80 : index
        %swap3A_575 = tpu.vector_load %arg6[%swap3A_573, %swap3A_574] {strides = array<i32>} : memref<640x128xf32, #tpu.memory_space<vmem>>, vector<1x16xf32>,
        %swap3A_576 = vector.shape_cast %swap3A_575 : vector<1x16xf32> to vector<16xf32>
        %swap3A_577 = vector.shape_cast %mul3A_572 : vector<16xf32> to vector<1x16xf32>
        tpu.vector_store %arg6[%swap3A_573, %swap3A_574], %swap3A_577 {strides = array<i32>} : memref<640x128xf32, #tpu.memory_space<vmem>>, vector<1x16xf32>,
        %get3A_578 = arith.index_cast %add3A_507 : i32 to index
        %get3A_579 = arith.constant 96 : index
        %get3A_580 = tpu.vector_load %arg6[%get3A_578, %get3A_579] {strides = array<i32>} : memref<640x128xf32, #tpu.memory_space<vmem>>, vector<1x16xf32>,
        %get3A_581 = vector.shape_cast %get3A_580 : vector<1x16xf32> to vector<16xf32>
        %mul3A_582 = arith.constant 11.3137083 : f32
        %mul3A_583 = vector.broadcast %mul3A_582 : f32 to vector<16xf32>
        %mul3A_584 = arith.mulf %get3A_581, %mul3A_583 : vector<16xf32>
        %swap3A_585 = arith.index_cast %add3A_507 : i32 to index
        %swap3A_586 = arith.constant 96 : index
        %swap3A_587 = tpu.vector_load %arg6[%swap3A_585, %swap3A_586] {strides = array<i32>} : memref<640x128xf32, #tpu.memory_space<vmem>>, vector<1x16xf32>,
        %swap3A_588 = vector.shape_cast %swap3A_587 : vector<1x16xf32> to vector<16xf32>
        %swap3A_589 = vector.shape_cast %mul3A_584 : vector<16xf32> to vector<1x16xf32>
        tpu.vector_store %arg6[%swap3A_585, %swap3A_586], %swap3A_589 {strides = array<i32>} : memref<640x128xf32, #tpu.memory_space<vmem>>, vector<1x16xf32>,
        %get3A_590 = arith.index_cast %add3A_507 : i32 to index
        %get3A_591 = arith.constant 112 : index
        %get3A_592 = tpu.vector_load %arg6[%get3A_590, %get3A_591] {strides = array<i32>} : memref<640x128xf32, #tpu.memory_space<vmem>>, vector<1x16xf32>,
        %get3A_593 = vector.shape_cast %get3A_592 : vector<1x16xf32> to vector<16xf32>
        %mul3A_594 = arith.constant 11.3137083 : f32
        %mul3A_595 = vector.broadcast %mul3A_594 : f32 to vector<16xf32>
        %mul3A_596 = arith.mulf %get3A_593, %mul3A_595 : vector<16xf32>
        %swap3A_597 = arith.index_cast %add3A_507 : i32 to index
        %swap3A_598 = arith.constant 112 : index
        %swap3A_599 = tpu.vector_load %arg6[%swap3A_597, %swap3A_598] {strides = array<i32>} : memref<640x128xf32, #tpu.memory_space<vmem>>, vector<1x16xf32>,
        %swap3A_600 = vector.shape_cast %swap3A_599 : vector<1x16xf32> to vector<16xf32>
        %swap3A_601 = vector.shape_cast %mul3A_596 : vector<16xf32> to vector<1x16xf32>
        tpu.vector_store %arg6[%swap3A_597, %swap3A_598], %swap3A_601 {strides = array<i32>} : memref<640x128xf32, #tpu.memory_space<vmem>>, vector<1x16xf32>,
      }
      %scan3A_196 = arith.constant 80 : i32
      %mul3A_197 = arith.constant 80 : i32
      %mul3A_198 = arith.muli %add3A_180, %mul3A_197 : i32
      %add3A_199 = arith.addi %mul3A_2, %mul3A_198 : i32
      %dma_start3A_200 = arith.constant 80 : i32
      %dma_start3A_201 = arith.constant 0 : i32
      %dma_start3A_202 = tpu.memref_slice %arg6[%dma_start3A_200, %dma_start3A_201] : memref<640x128xf32, #tpu.memory_space<vmem>> -> memref<80x128xf32, #tpu.memory_space<vmem>>
      %dma_start3A_203 = arith.constant 0 : i32
      %dma_start3A_204 = tpu.memref_slice %arg4[%add3A_199, %dma_start3A_203] : memref<204800x128xf32, #tpu.memory_space<hbm>> -> memref<80x128xf32, #tpu.memory_space<hbm>>
      %dma_start3A_205 = arith.constant 0 : i32
      %dma_start3A_206 = tpu.memref_slice %arg4[%add3A_199, %dma_start3A_205] : memref<204800x128xf32, #tpu.memory_space<hbm>> -> memref<80x128xf32, #tpu.memory_space<hbm>>
      %dma_start3A_207 = arith.constant 80 : i32
      %dma_start3A_208 = arith.constant 0 : i32
      %dma_start3A_209 = tpu.memref_slice %arg6[%dma_start3A_207, %dma_start3A_208] : memref<640x128xf32, #tpu.memory_space<vmem>> -> memref<80x128xf32, #tpu.memory_space<vmem>>
      tpu.enqueue_dma source(%dma_start3A_209 : memref<80x128xf32, #tpu.memory_space<vmem>>) target(%dma_start3A_206 : memref<80x128xf32, #tpu.memory_space<hbm>>) target_semaphore(%arg16 : memref<!tpu.dma_semaphore, #tpu.memory_space<semaphore_mem>>)
      %add3A_210 = arith.constant 4 : i32
      %add3A_211 = arith.addi %add3A_180, %add3A_210 : i32
      %ge3A_212 = arith.constant 8 : i32
      %ge3A_213 = arith.cmpi sge, %add3A_211, %ge3A_212 : i32
      %lt3A_214 = arith.constant 80 : i32
      %lt3A_215 = arith.cmpi slt, %add3A_211, %lt3A_214 : i32
      %and3A_216 = arith.andi %ge3A_213, %lt3A_215 : i1
      %convert_element_type3A_217 = arith.extui %and3A_216 : i1 to i32
      %cond3A_218 = arith.constant 0 : i32
      %cond3A_219 = arith.cmpi ne, %convert_element_type3A_217, %cond3A_218 : i32
      scf.if %cond3A_219 {
        %sub3A = arith.constant 8 : i32
        %sub3A_501 = arith.subi %add3A_211, %sub3A : i32
        %mul3A_502 = arith.constant 80 : i32
        %mul3A_503 = arith.muli %sub3A_501, %mul3A_502 : i32
        %add3A_504 = arith.addi %mul3A_2, %mul3A_503 : i32
        %dma_wait3A_505 = arith.constant 400 : i32
        %dma_wait3A_506 = arith.constant 0 : i32
        %dma_wait3A_507 = tpu.memref_slice %arg6[%dma_wait3A_505, %dma_wait3A_506] : memref<640x128xf32, #tpu.memory_space<vmem>> -> memref<80x128xf32, #tpu.memory_space<vmem>>
        %dma_wait3A_508 = arith.constant 0 : i32
        %dma_wait3A_509 = tpu.memref_slice %arg4[%add3A_504, %dma_wait3A_508] : memref<204800x128xf32, #tpu.memory_space<hbm>> -> memref<80x128xf32, #tpu.memory_space<hbm>>
        %dma_wait3A_510 = arith.constant 0 : i32
        %dma_wait3A_511 = tpu.memref_slice %arg4[%add3A_504, %dma_wait3A_510] : memref<204800x128xf32, #tpu.memory_space<hbm>> -> memref<80x128xf32, #tpu.memory_space<hbm>>
        %dma_wait3A_512 = arith.constant 400 : i32
        %dma_wait3A_513 = arith.constant 0 : i32
        %dma_wait3A_514 = tpu.memref_slice %arg6[%dma_wait3A_512, %dma_wait3A_513] : memref<640x128xf32, #tpu.memory_space<vmem>> -> memref<80x128xf32, #tpu.memory_space<vmem>>
        tpu.wait_dma2 semaphore(%arg20 : memref<!tpu.dma_semaphore, #tpu.memory_space<semaphore_mem>>) src(%dma_wait3A_514 : memref<80x128xf32, #tpu.memory_space<vmem>>) dst(%dma_wait3A_511 : memref<80x128xf32, #tpu.memory_space<hbm>>)
      } else {
      }
      %lt3A_220 = arith.constant 80 : i32
      %lt3A_221 = arith.cmpi slt, %add3A_211, %lt3A_220 : i32
      %convert_element_type3A_222 = arith.extui %lt3A_221 : i1 to i32
      %cond3A_223 = arith.constant 0 : i32
      %cond3A_224 = arith.cmpi ne, %convert_element_type3A_222, %cond3A_223 : i32
      scf.if %cond3A_224 {
        %mul3A_501 = arith.constant 80 : i32
        %mul3A_502 = arith.muli %add3A_211, %mul3A_501 : i32
        %add3A_503 = arith.constant 0 : i32
        %add3A_504 = arith.addi %mul3A_502, %add3A_503 : i32
        %dma_start3A_505 = arith.constant 400 : i32
        %dma_start3A_506 = arith.constant 0 : i32
        %dma_start3A_507 = tpu.memref_slice %arg6[%dma_start3A_505, %dma_start3A_506] : memref<640x128xf32, #tpu.memory_space<vmem>> -> memref<80x128xf32, #tpu.memory_space<vmem>>
        %dma_start3A_508 = tpu.memref_slice %arg5[%add3A_504] : memref<6400xi32, #tpu.memory_space<vmem>> -> memref<80xi32, #tpu.memory_space<vmem>>
        %dma_start3A_509 = arith.constant 0 : i32
        %dma_start3A_510 = arith.constant 0 : i32
        %dma_start3A_511 = tpu.memref_slice %arg3[%dma_start3A_509, %dma_start3A_510] : memref<100000x128xf32, #tpu.memory_space<hbm>> -> memref<100000x128xf32, #tpu.memory_space<hbm>>
        tpu.enqueue_indirect_dma source(%dma_start3A_511 : memref<100000x128xf32, #tpu.memory_space<hbm>>) target(%dma_start3A_507 : memref<80x128xf32, #tpu.memory_space<vmem>>) offsets(%dma_start3A_508 : memref<80xi32, #tpu.memory_space<vmem>>) semaphore(%arg12 : memref<!tpu.dma_semaphore, #tpu.memory_space<semaphore_mem>>)
      } else {
      }
      %add3A_225 = arith.constant 2 : i32
      %add3A_226 = arith.addi %add3A_137, %add3A_225 : i32
      %mul3A_227 = arith.constant 80 : i32
      %mul3A_228 = arith.muli %add3A_226, %mul3A_227 : i32
      %add3A_229 = arith.constant 0 : i32
      %add3A_230 = arith.addi %mul3A_228, %add3A_229 : i32
      %dma_wait3A_231 = arith.constant 160 : i32
      %dma_wait3A_232 = arith.constant 0 : i32
      %dma_wait3A_233 = tpu.memref_slice %arg6[%dma_wait3A_231, %dma_wait3A_232] : memref<640x128xf32, #tpu.memory_space<vmem>> -> memref<80x128xf32, #tpu.memory_space<vmem>>
      %dma_wait3A_234 = tpu.memref_slice %arg5[%add3A_230] : memref<6400xi32, #tpu.memory_space<vmem>> -> memref<80xi32, #tpu.memory_space<vmem>>
      %dma_wait3A_235 = arith.constant 0 : i32
      %dma_wait3A_236 = arith.constant 0 : i32
      %dma_wait3A_237 = tpu.memref_slice %arg3[%dma_wait3A_235, %dma_wait3A_236] : memref<100000x128xf32, #tpu.memory_space<hbm>> -> memref<100000x128xf32, #tpu.memory_space<hbm>>
      tpu.wait_indirect_dma semaphore(%arg9 : memref<!tpu.dma_semaphore, #tpu.memory_space<semaphore_mem>>) src(%dma_wait3A_237 : memref<100000x128xf32, #tpu.memory_space<hbm>>) dst(%dma_wait3A_233 : memref<80x128xf32, #tpu.memory_space<vmem>>)
      %scan3A_238 = arith.constant 0 : i32
      %scan3A_239 = arith.constant 80 : i32
      %scan3A_240 = arith.addi %scan3A_238, %scan3A_239 : i32
      %scan3A_241 = arith.constant 1 : i32
      scf.for %scan3A_501 = %scan3A_238 to %scan3A_240 step %scan3A_241  : i32 {
        %mul3A_502 = arith.constant 1 : i32
        %mul3A_503 = arith.muli %scan3A_501, %mul3A_502 : i32
        %add3A_504 = arith.constant 0 : i32
        %add3A_505 = arith.addi %add3A_504, %mul3A_503 : i32
        %add3A_506 = arith.constant 160 : i32
        %add3A_507 = arith.addi %add3A_506, %add3A_505 : i32
        %get3A = arith.index_cast %add3A_507 : i32 to index
        %get3A_508 = arith.constant 0 : index
        %get3A_509 = tpu.vector_load %arg6[%get3A, %get3A_508] {strides = array<i32>} : memref<640x128xf32, #tpu.memory_space<vmem>>, vector<1x16xf32>,
        %get3A_510 = vector.shape_cast %get3A_509 : vector<1x16xf32> to vector<16xf32>
        %mul3A_511 = arith.constant 11.3137083 : f32
        %mul3A_512 = vector.broadcast %mul3A_511 : f32 to vector<16xf32>
        %mul3A_513 = arith.mulf %get3A_510, %mul3A_512 : vector<16xf32>
        %swap3A = arith.index_cast %add3A_507 : i32 to index
        %swap3A_514 = arith.constant 0 : index
        %swap3A_515 = tpu.vector_load %arg6[%swap3A, %swap3A_514] {strides = array<i32>} : memref<640x128xf32, #tpu.memory_space<vmem>>, vector<1x16xf32>,
        %swap3A_516 = vector.shape_cast %swap3A_515 : vector<1x16xf32> to vector<16xf32>
        %swap3A_517 = vector.shape_cast %mul3A_513 : vector<16xf32> to vector<1x16xf32>
        tpu.vector_store %arg6[%swap3A, %swap3A_514], %swap3A_517 {strides = array<i32>} : memref<640x128xf32, #tpu.memory_space<vmem>>, vector<1x16xf32>,
        %get3A_518 = arith.index_cast %add3A_507 : i32 to index
        %get3A_519 = arith.constant 16 : index
        %get3A_520 = tpu.vector_load %arg6[%get3A_518, %get3A_519] {strides = array<i32>} : memref<640x128xf32, #tpu.memory_space<vmem>>, vector<1x16xf32>,
        %get3A_521 = vector.shape_cast %get3A_520 : vector<1x16xf32> to vector<16xf32>
        %mul3A_522 = arith.constant 11.3137083 : f32
        %mul3A_523 = vector.broadcast %mul3A_522 : f32 to vector<16xf32>
        %mul3A_524 = arith.mulf %get3A_521, %mul3A_523 : vector<16xf32>
        %swap3A_525 = arith.index_cast %add3A_507 : i32 to index
        %swap3A_526 = arith.constant 16 : index
        %swap3A_527 = tpu.vector_load %arg6[%swap3A_525, %swap3A_526] {strides = array<i32>} : memref<640x128xf32, #tpu.memory_space<vmem>>, vector<1x16xf32>,
        %swap3A_528 = vector.shape_cast %swap3A_527 : vector<1x16xf32> to vector<16xf32>
        %swap3A_529 = vector.shape_cast %mul3A_524 : vector<16xf32> to vector<1x16xf32>
        tpu.vector_store %arg6[%swap3A_525, %swap3A_526], %swap3A_529 {strides = array<i32>} : memref<640x128xf32, #tpu.memory_space<vmem>>, vector<1x16xf32>,
        %get3A_530 = arith.index_cast %add3A_507 : i32 to index
        %get3A_531 = arith.constant 32 : index
        %get3A_532 = tpu.vector_load %arg6[%get3A_530, %get3A_531] {strides = array<i32>} : memref<640x128xf32, #tpu.memory_space<vmem>>, vector<1x16xf32>,
        %get3A_533 = vector.shape_cast %get3A_532 : vector<1x16xf32> to vector<16xf32>
        %mul3A_534 = arith.constant 11.3137083 : f32
        %mul3A_535 = vector.broadcast %mul3A_534 : f32 to vector<16xf32>
        %mul3A_536 = arith.mulf %get3A_533, %mul3A_535 : vector<16xf32>
        %swap3A_537 = arith.index_cast %add3A_507 : i32 to index
        %swap3A_538 = arith.constant 32 : index
        %swap3A_539 = tpu.vector_load %arg6[%swap3A_537, %swap3A_538] {strides = array<i32>} : memref<640x128xf32, #tpu.memory_space<vmem>>, vector<1x16xf32>,
        %swap3A_540 = vector.shape_cast %swap3A_539 : vector<1x16xf32> to vector<16xf32>
        %swap3A_541 = vector.shape_cast %mul3A_536 : vector<16xf32> to vector<1x16xf32>
        tpu.vector_store %arg6[%swap3A_537, %swap3A_538], %swap3A_541 {strides = array<i32>} : memref<640x128xf32, #tpu.memory_space<vmem>>, vector<1x16xf32>,
        %get3A_542 = arith.index_cast %add3A_507 : i32 to index
        %get3A_543 = arith.constant 48 : index
        %get3A_544 = tpu.vector_load %arg6[%get3A_542, %get3A_543] {strides = array<i32>} : memref<640x128xf32, #tpu.memory_space<vmem>>, vector<1x16xf32>,
        %get3A_545 = vector.shape_cast %get3A_544 : vector<1x16xf32> to vector<16xf32>
        %mul3A_546 = arith.constant 11.3137083 : f32
        %mul3A_547 = vector.broadcast %mul3A_546 : f32 to vector<16xf32>
        %mul3A_548 = arith.mulf %get3A_545, %mul3A_547 : vector<16xf32>
        %swap3A_549 = arith.index_cast %add3A_507 : i32 to index
        %swap3A_550 = arith.constant 48 : index
        %swap3A_551 = tpu.vector_load %arg6[%swap3A_549, %swap3A_550] {strides = array<i32>} : memref<640x128xf32, #tpu.memory_space<vmem>>, vector<1x16xf32>,
        %swap3A_552 = vector.shape_cast %swap3A_551 : vector<1x16xf32> to vector<16xf32>
        %swap3A_553 = vector.shape_cast %mul3A_548 : vector<16xf32> to vector<1x16xf32>
        tpu.vector_store %arg6[%swap3A_549, %swap3A_550], %swap3A_553 {strides = array<i32>} : memref<640x128xf32, #tpu.memory_space<vmem>>, vector<1x16xf32>,
        %get3A_554 = arith.index_cast %add3A_507 : i32 to index
        %get3A_555 = arith.constant 64 : index
        %get3A_556 = tpu.vector_load %arg6[%get3A_554, %get3A_555] {strides = array<i32>} : memref<640x128xf32, #tpu.memory_space<vmem>>, vector<1x16xf32>,
        %get3A_557 = vector.shape_cast %get3A_556 : vector<1x16xf32> to vector<16xf32>
        %mul3A_558 = arith.constant 11.3137083 : f32
        %mul3A_559 = vector.broadcast %mul3A_558 : f32 to vector<16xf32>
        %mul3A_560 = arith.mulf %get3A_557, %mul3A_559 : vector<16xf32>
        %swap3A_561 = arith.index_cast %add3A_507 : i32 to index
        %swap3A_562 = arith.constant 64 : index
        %swap3A_563 = tpu.vector_load %arg6[%swap3A_561, %swap3A_562] {strides = array<i32>} : memref<640x128xf32, #tpu.memory_space<vmem>>, vector<1x16xf32>,
        %swap3A_564 = vector.shape_cast %swap3A_563 : vector<1x16xf32> to vector<16xf32>
        %swap3A_565 = vector.shape_cast %mul3A_560 : vector<16xf32> to vector<1x16xf32>
        tpu.vector_store %arg6[%swap3A_561, %swap3A_562], %swap3A_565 {strides = array<i32>} : memref<640x128xf32, #tpu.memory_space<vmem>>, vector<1x16xf32>,
        %get3A_566 = arith.index_cast %add3A_507 : i32 to index
        %get3A_567 = arith.constant 80 : index
        %get3A_568 = tpu.vector_load %arg6[%get3A_566, %get3A_567] {strides = array<i32>} : memref<640x128xf32, #tpu.memory_space<vmem>>, vector<1x16xf32>,
        %get3A_569 = vector.shape_cast %get3A_568 : vector<1x16xf32> to vector<16xf32>
        %mul3A_570 = arith.constant 11.3137083 : f32
        %mul3A_571 = vector.broadcast %mul3A_570 : f32 to vector<16xf32>
        %mul3A_572 = arith.mulf %get3A_569, %mul3A_571 : vector<16xf32>
        %swap3A_573 = arith.index_cast %add3A_507 : i32 to index
        %swap3A_574 = arith.constant 80 : index
        %swap3A_575 = tpu.vector_load %arg6[%swap3A_573, %swap3A_574] {strides = array<i32>} : memref<640x128xf32, #tpu.memory_space<vmem>>, vector<1x16xf32>,
        %swap3A_576 = vector.shape_cast %swap3A_575 : vector<1x16xf32> to vector<16xf32>
        %swap3A_577 = vector.shape_cast %mul3A_572 : vector<16xf32> to vector<1x16xf32>
        tpu.vector_store %arg6[%swap3A_573, %swap3A_574], %swap3A_577 {strides = array<i32>} : memref<640x128xf32, #tpu.memory_space<vmem>>, vector<1x16xf32>,
        %get3A_578 = arith.index_cast %add3A_507 : i32 to index
        %get3A_579 = arith.constant 96 : index
        %get3A_580 = tpu.vector_load %arg6[%get3A_578, %get3A_579] {strides = array<i32>} : memref<640x128xf32, #tpu.memory_space<vmem>>, vector<1x16xf32>,
        %get3A_581 = vector.shape_cast %get3A_580 : vector<1x16xf32> to vector<16xf32>
        %mul3A_582 = arith.constant 11.3137083 : f32
        %mul3A_583 = vector.broadcast %mul3A_582 : f32 to vector<16xf32>
        %mul3A_584 = arith.mulf %get3A_581, %mul3A_583 : vector<16xf32>
        %swap3A_585 = arith.index_cast %add3A_507 : i32 to index
        %swap3A_586 = arith.constant 96 : index
        %swap3A_587 = tpu.vector_load %arg6[%swap3A_585, %swap3A_586] {strides = array<i32>} : memref<640x128xf32, #tpu.memory_space<vmem>>, vector<1x16xf32>,
        %swap3A_588 = vector.shape_cast %swap3A_587 : vector<1x16xf32> to vector<16xf32>
        %swap3A_589 = vector.shape_cast %mul3A_584 : vector<16xf32> to vector<1x16xf32>
        tpu.vector_store %arg6[%swap3A_585, %swap3A_586], %swap3A_589 {strides = array<i32>} : memref<640x128xf32, #tpu.memory_space<vmem>>, vector<1x16xf32>,
        %get3A_590 = arith.index_cast %add3A_507 : i32 to index
        %get3A_591 = arith.constant 112 : index
        %get3A_592 = tpu.vector_load %arg6[%get3A_590, %get3A_591] {strides = array<i32>} : memref<640x128xf32, #tpu.memory_space<vmem>>, vector<1x16xf32>,
        %get3A_593 = vector.shape_cast %get3A_592 : vector<1x16xf32> to vector<16xf32>
        %mul3A_594 = arith.constant 11.3137083 : f32
        %mul3A_595 = vector.broadcast %mul3A_594 : f32 to vector<16xf32>
        %mul3A_596 = arith.mulf %get3A_593, %mul3A_595 : vector<16xf32>
        %swap3A_597 = arith.index_cast %add3A_507 : i32 to index
        %swap3A_598 = arith.constant 112 : index
        %swap3A_599 = tpu.vector_load %arg6[%swap3A_597, %swap3A_598] {strides = array<i32>} : memref<640x128xf32, #tpu.memory_space<vmem>>, vector<1x16xf32>,
        %swap3A_600 = vector.shape_cast %swap3A_599 : vector<1x16xf32> to vector<16xf32>
        %swap3A_601 = vector.shape_cast %mul3A_596 : vector<16xf32> to vector<1x16xf32>
        tpu.vector_store %arg6[%swap3A_597, %swap3A_598], %swap3A_601 {strides = array<i32>} : memref<640x128xf32, #tpu.memory_space<vmem>>, vector<1x16xf32>,
      }
      %scan3A_242 = arith.constant 80 : i32
      %mul3A_243 = arith.constant 80 : i32
      %mul3A_244 = arith.muli %add3A_226, %mul3A_243 : i32
      %add3A_245 = arith.addi %mul3A_2, %mul3A_244 : i32
      %dma_start3A_246 = arith.constant 160 : i32
      %dma_start3A_247 = arith.constant 0 : i32
      %dma_start3A_248 = tpu.memref_slice %arg6[%dma_start3A_246, %dma_start3A_247] : memref<640x128xf32, #tpu.memory_space<vmem>> -> memref<80x128xf32, #tpu.memory_space<vmem>>
      %dma_start3A_249 = arith.constant 0 : i32
      %dma_start3A_250 = tpu.memref_slice %arg4[%add3A_245, %dma_start3A_249] : memref<204800x128xf32, #tpu.memory_space<hbm>> -> memref<80x128xf32, #tpu.memory_space<hbm>>
      %dma_start3A_251 = arith.constant 0 : i32
      %dma_start3A_252 = tpu.memref_slice %arg4[%add3A_245, %dma_start3A_251] : memref<204800x128xf32, #tpu.memory_space<hbm>> -> memref<80x128xf32, #tpu.memory_space<hbm>>
      %dma_start3A_253 = arith.constant 160 : i32
      %dma_start3A_254 = arith.constant 0 : i32
      %dma_start3A_255 = tpu.memref_slice %arg6[%dma_start3A_253, %dma_start3A_254] : memref<640x128xf32, #tpu.memory_space<vmem>> -> memref<80x128xf32, #tpu.memory_space<vmem>>
      tpu.enqueue_dma source(%dma_start3A_255 : memref<80x128xf32, #tpu.memory_space<vmem>>) target(%dma_start3A_252 : memref<80x128xf32, #tpu.memory_space<hbm>>) target_semaphore(%arg17 : memref<!tpu.dma_semaphore, #tpu.memory_space<semaphore_mem>>)
      %add3A_256 = arith.constant 4 : i32
      %add3A_257 = arith.addi %add3A_226, %add3A_256 : i32
      %ge3A_258 = arith.constant 8 : i32
      %ge3A_259 = arith.cmpi sge, %add3A_257, %ge3A_258 : i32
      %lt3A_260 = arith.constant 80 : i32
      %lt3A_261 = arith.cmpi slt, %add3A_257, %lt3A_260 : i32
      %and3A_262 = arith.andi %ge3A_259, %lt3A_261 : i1
      %convert_element_type3A_263 = arith.extui %and3A_262 : i1 to i32
      %cond3A_264 = arith.constant 0 : i32
      %cond3A_265 = arith.cmpi ne, %convert_element_type3A_263, %cond3A_264 : i32
      scf.if %cond3A_265 {
        %sub3A = arith.constant 8 : i32
        %sub3A_501 = arith.subi %add3A_257, %sub3A : i32
        %mul3A_502 = arith.constant 80 : i32
        %mul3A_503 = arith.muli %sub3A_501, %mul3A_502 : i32
        %add3A_504 = arith.addi %mul3A_2, %mul3A_503 : i32
        %dma_wait3A_505 = arith.constant 480 : i32
        %dma_wait3A_506 = arith.constant 0 : i32
        %dma_wait3A_507 = tpu.memref_slice %arg6[%dma_wait3A_505, %dma_wait3A_506] : memref<640x128xf32, #tpu.memory_space<vmem>> -> memref<80x128xf32, #tpu.memory_space<vmem>>
        %dma_wait3A_508 = arith.constant 0 : i32
        %dma_wait3A_509 = tpu.memref_slice %arg4[%add3A_504, %dma_wait3A_508] : memref<204800x128xf32, #tpu.memory_space<hbm>> -> memref<80x128xf32, #tpu.memory_space<hbm>>
        %dma_wait3A_510 = arith.constant 0 : i32
        %dma_wait3A_511 = tpu.memref_slice %arg4[%add3A_504, %dma_wait3A_510] : memref<204800x128xf32, #tpu.memory_space<hbm>> -> memref<80x128xf32, #tpu.memory_space<hbm>>
        %dma_wait3A_512 = arith.constant 480 : i32
        %dma_wait3A_513 = arith.constant 0 : i32
        %dma_wait3A_514 = tpu.memref_slice %arg6[%dma_wait3A_512, %dma_wait3A_513] : memref<640x128xf32, #tpu.memory_space<vmem>> -> memref<80x128xf32, #tpu.memory_space<vmem>>
        tpu.wait_dma2 semaphore(%arg21 : memref<!tpu.dma_semaphore, #tpu.memory_space<semaphore_mem>>) src(%dma_wait3A_514 : memref<80x128xf32, #tpu.memory_space<vmem>>) dst(%dma_wait3A_511 : memref<80x128xf32, #tpu.memory_space<hbm>>)
      } else {
      }
      %lt3A_266 = arith.constant 80 : i32
      %lt3A_267 = arith.cmpi slt, %add3A_257, %lt3A_266 : i32
      %convert_element_type3A_268 = arith.extui %lt3A_267 : i1 to i32
      %cond3A_269 = arith.constant 0 : i32
      %cond3A_270 = arith.cmpi ne, %convert_element_type3A_268, %cond3A_269 : i32
      scf.if %cond3A_270 {
        %mul3A_501 = arith.constant 80 : i32
        %mul3A_502 = arith.muli %add3A_257, %mul3A_501 : i32
        %add3A_503 = arith.constant 0 : i32
        %add3A_504 = arith.addi %mul3A_502, %add3A_503 : i32
        %dma_start3A_505 = arith.constant 480 : i32
        %dma_start3A_506 = arith.constant 0 : i32
        %dma_start3A_507 = tpu.memref_slice %arg6[%dma_start3A_505, %dma_start3A_506] : memref<640x128xf32, #tpu.memory_space<vmem>> -> memref<80x128xf32, #tpu.memory_space<vmem>>
        %dma_start3A_508 = tpu.memref_slice %arg5[%add3A_504] : memref<6400xi32, #tpu.memory_space<vmem>> -> memref<80xi32, #tpu.memory_space<vmem>>
        %dma_start3A_509 = arith.constant 0 : i32
        %dma_start3A_510 = arith.constant 0 : i32
        %dma_start3A_511 = tpu.memref_slice %arg3[%dma_start3A_509, %dma_start3A_510] : memref<100000x128xf32, #tpu.memory_space<hbm>> -> memref<100000x128xf32, #tpu.memory_space<hbm>>
        tpu.enqueue_indirect_dma source(%dma_start3A_511 : memref<100000x128xf32, #tpu.memory_space<hbm>>) target(%dma_start3A_507 : memref<80x128xf32, #tpu.memory_space<vmem>>) offsets(%dma_start3A_508 : memref<80xi32, #tpu.memory_space<vmem>>) semaphore(%arg13 : memref<!tpu.dma_semaphore, #tpu.memory_space<semaphore_mem>>)
      } else {
      }
      %add3A_271 = arith.constant 3 : i32
      %add3A_272 = arith.addi %add3A_137, %add3A_271 : i32
      %mul3A_273 = arith.constant 80 : i32
      %mul3A_274 = arith.muli %add3A_272, %mul3A_273 : i32
      %add3A_275 = arith.constant 0 : i32
      %add3A_276 = arith.addi %mul3A_274, %add3A_275 : i32
      %dma_wait3A_277 = arith.constant 240 : i32
      %dma_wait3A_278 = arith.constant 0 : i32
      %dma_wait3A_279 = tpu.memref_slice %arg6[%dma_wait3A_277, %dma_wait3A_278] : memref<640x128xf32, #tpu.memory_space<vmem>> -> memref<80x128xf32, #tpu.memory_space<vmem>>
      %dma_wait3A_280 = tpu.memref_slice %arg5[%add3A_276] : memref<6400xi32, #tpu.memory_space<vmem>> -> memref<80xi32, #tpu.memory_space<vmem>>
      %dma_wait3A_281 = arith.constant 0 : i32
      %dma_wait3A_282 = arith.constant 0 : i32
      %dma_wait3A_283 = tpu.memref_slice %arg3[%dma_wait3A_281, %dma_wait3A_282] : memref<100000x128xf32, #tpu.memory_space<hbm>> -> memref<100000x128xf32, #tpu.memory_space<hbm>>
      tpu.wait_indirect_dma semaphore(%arg10 : memref<!tpu.dma_semaphore, #tpu.memory_space<semaphore_mem>>) src(%dma_wait3A_283 : memref<100000x128xf32, #tpu.memory_space<hbm>>) dst(%dma_wait3A_279 : memref<80x128xf32, #tpu.memory_space<vmem>>)
      %scan3A_284 = arith.constant 0 : i32
      %scan3A_285 = arith.constant 80 : i32
      %scan3A_286 = arith.addi %scan3A_284, %scan3A_285 : i32
      %scan3A_287 = arith.constant 1 : i32
      scf.for %scan3A_501 = %scan3A_284 to %scan3A_286 step %scan3A_287  : i32 {
        %mul3A_502 = arith.constant 1 : i32
        %mul3A_503 = arith.muli %scan3A_501, %mul3A_502 : i32
        %add3A_504 = arith.constant 0 : i32
        %add3A_505 = arith.addi %add3A_504, %mul3A_503 : i32
        %add3A_506 = arith.constant 240 : i32
        %add3A_507 = arith.addi %add3A_506, %add3A_505 : i32
        %get3A = arith.index_cast %add3A_507 : i32 to index
        %get3A_508 = arith.constant 0 : index
        %get3A_509 = tpu.vector_load %arg6[%get3A, %get3A_508] {strides = array<i32>} : memref<640x128xf32, #tpu.memory_space<vmem>>, vector<1x16xf32>,
        %get3A_510 = vector.shape_cast %get3A_509 : vector<1x16xf32> to vector<16xf32>
        %mul3A_511 = arith.constant 11.3137083 : f32
        %mul3A_512 = vector.broadcast %mul3A_511 : f32 to vector<16xf32>
        %mul3A_513 = arith.mulf %get3A_510, %mul3A_512 : vector<16xf32>
        %swap3A = arith.index_cast %add3A_507 : i32 to index
        %swap3A_514 = arith.constant 0 : index
        %swap3A_515 = tpu.vector_load %arg6[%swap3A, %swap3A_514] {strides = array<i32>} : memref<640x128xf32, #tpu.memory_space<vmem>>, vector<1x16xf32>,
        %swap3A_516 = vector.shape_cast %swap3A_515 : vector<1x16xf32> to vector<16xf32>
        %swap3A_517 = vector.shape_cast %mul3A_513 : vector<16xf32> to vector<1x16xf32>
        tpu.vector_store %arg6[%swap3A, %swap3A_514], %swap3A_517 {strides = array<i32>} : memref<640x128xf32, #tpu.memory_space<vmem>>, vector<1x16xf32>,
        %get3A_518 = arith.index_cast %add3A_507 : i32 to index
        %get3A_519 = arith.constant 16 : index
        %get3A_520 = tpu.vector_load %arg6[%get3A_518, %get3A_519] {strides = array<i32>} : memref<640x128xf32, #tpu.memory_space<vmem>>, vector<1x16xf32>,
        %get3A_521 = vector.shape_cast %get3A_520 : vector<1x16xf32> to vector<16xf32>
        %mul3A_522 = arith.constant 11.3137083 : f32
        %mul3A_523 = vector.broadcast %mul3A_522 : f32 to vector<16xf32>
        %mul3A_524 = arith.mulf %get3A_521, %mul3A_523 : vector<16xf32>
        %swap3A_525 = arith.index_cast %add3A_507 : i32 to index
        %swap3A_526 = arith.constant 16 : index
        %swap3A_527 = tpu.vector_load %arg6[%swap3A_525, %swap3A_526] {strides = array<i32>} : memref<640x128xf32, #tpu.memory_space<vmem>>, vector<1x16xf32>,
        %swap3A_528 = vector.shape_cast %swap3A_527 : vector<1x16xf32> to vector<16xf32>
        %swap3A_529 = vector.shape_cast %mul3A_524 : vector<16xf32> to vector<1x16xf32>
        tpu.vector_store %arg6[%swap3A_525, %swap3A_526], %swap3A_529 {strides = array<i32>} : memref<640x128xf32, #tpu.memory_space<vmem>>, vector<1x16xf32>,
        %get3A_530 = arith.index_cast %add3A_507 : i32 to index
        %get3A_531 = arith.constant 32 : index
        %get3A_532 = tpu.vector_load %arg6[%get3A_530, %get3A_531] {strides = array<i32>} : memref<640x128xf32, #tpu.memory_space<vmem>>, vector<1x16xf32>,
        %get3A_533 = vector.shape_cast %get3A_532 : vector<1x16xf32> to vector<16xf32>
        %mul3A_534 = arith.constant 11.3137083 : f32
        %mul3A_535 = vector.broadcast %mul3A_534 : f32 to vector<16xf32>
        %mul3A_536 = arith.mulf %get3A_533, %mul3A_535 : vector<16xf32>
        %swap3A_537 = arith.index_cast %add3A_507 : i32 to index
        %swap3A_538 = arith.constant 32 : index
        %swap3A_539 = tpu.vector_load %arg6[%swap3A_537, %swap3A_538] {strides = array<i32>} : memref<640x128xf32, #tpu.memory_space<vmem>>, vector<1x16xf32>,
        %swap3A_540 = vector.shape_cast %swap3A_539 : vector<1x16xf32> to vector<16xf32>
        %swap3A_541 = vector.shape_cast %mul3A_536 : vector<16xf32> to vector<1x16xf32>
        tpu.vector_store %arg6[%swap3A_537, %swap3A_538], %swap3A_541 {strides = array<i32>} : memref<640x128xf32, #tpu.memory_space<vmem>>, vector<1x16xf32>,
        %get3A_542 = arith.index_cast %add3A_507 : i32 to index
        %get3A_543 = arith.constant 48 : index
        %get3A_544 = tpu.vector_load %arg6[%get3A_542, %get3A_543] {strides = array<i32>} : memref<640x128xf32, #tpu.memory_space<vmem>>, vector<1x16xf32>,
        %get3A_545 = vector.shape_cast %get3A_544 : vector<1x16xf32> to vector<16xf32>
        %mul3A_546 = arith.constant 11.3137083 : f32
        %mul3A_547 = vector.broadcast %mul3A_546 : f32 to vector<16xf32>
        %mul3A_548 = arith.mulf %get3A_545, %mul3A_547 : vector<16xf32>
        %swap3A_549 = arith.index_cast %add3A_507 : i32 to index
        %swap3A_550 = arith.constant 48 : index
        %swap3A_551 = tpu.vector_load %arg6[%swap3A_549, %swap3A_550] {strides = array<i32>} : memref<640x128xf32, #tpu.memory_space<vmem>>, vector<1x16xf32>,
        %swap3A_552 = vector.shape_cast %swap3A_551 : vector<1x16xf32> to vector<16xf32>
        %swap3A_553 = vector.shape_cast %mul3A_548 : vector<16xf32> to vector<1x16xf32>
        tpu.vector_store %arg6[%swap3A_549, %swap3A_550], %swap3A_553 {strides = array<i32>} : memref<640x128xf32, #tpu.memory_space<vmem>>, vector<1x16xf32>,
        %get3A_554 = arith.index_cast %add3A_507 : i32 to index
        %get3A_555 = arith.constant 64 : index
        %get3A_556 = tpu.vector_load %arg6[%get3A_554, %get3A_555] {strides = array<i32>} : memref<640x128xf32, #tpu.memory_space<vmem>>, vector<1x16xf32>,
        %get3A_557 = vector.shape_cast %get3A_556 : vector<1x16xf32> to vector<16xf32>
        %mul3A_558 = arith.constant 11.3137083 : f32
        %mul3A_559 = vector.broadcast %mul3A_558 : f32 to vector<16xf32>
        %mul3A_560 = arith.mulf %get3A_557, %mul3A_559 : vector<16xf32>
        %swap3A_561 = arith.index_cast %add3A_507 : i32 to index
        %swap3A_562 = arith.constant 64 : index
        %swap3A_563 = tpu.vector_load %arg6[%swap3A_561, %swap3A_562] {strides = array<i32>} : memref<640x128xf32, #tpu.memory_space<vmem>>, vector<1x16xf32>,
        %swap3A_564 = vector.shape_cast %swap3A_563 : vector<1x16xf32> to vector<16xf32>
        %swap3A_565 = vector.shape_cast %mul3A_560 : vector<16xf32> to vector<1x16xf32>
        tpu.vector_store %arg6[%swap3A_561, %swap3A_562], %swap3A_565 {strides = array<i32>} : memref<640x128xf32, #tpu.memory_space<vmem>>, vector<1x16xf32>,
        %get3A_566 = arith.index_cast %add3A_507 : i32 to index
        %get3A_567 = arith.constant 80 : index
        %get3A_568 = tpu.vector_load %arg6[%get3A_566, %get3A_567] {strides = array<i32>} : memref<640x128xf32, #tpu.memory_space<vmem>>, vector<1x16xf32>,
        %get3A_569 = vector.shape_cast %get3A_568 : vector<1x16xf32> to vector<16xf32>
        %mul3A_570 = arith.constant 11.3137083 : f32
        %mul3A_571 = vector.broadcast %mul3A_570 : f32 to vector<16xf32>
        %mul3A_572 = arith.mulf %get3A_569, %mul3A_571 : vector<16xf32>
        %swap3A_573 = arith.index_cast %add3A_507 : i32 to index
        %swap3A_574 = arith.constant 80 : index
        %swap3A_575 = tpu.vector_load %arg6[%swap3A_573, %swap3A_574] {strides = array<i32>} : memref<640x128xf32, #tpu.memory_space<vmem>>, vector<1x16xf32>,
        %swap3A_576 = vector.shape_cast %swap3A_575 : vector<1x16xf32> to vector<16xf32>
        %swap3A_577 = vector.shape_cast %mul3A_572 : vector<16xf32> to vector<1x16xf32>
        tpu.vector_store %arg6[%swap3A_573, %swap3A_574], %swap3A_577 {strides = array<i32>} : memref<640x128xf32, #tpu.memory_space<vmem>>, vector<1x16xf32>,
        %get3A_578 = arith.index_cast %add3A_507 : i32 to index
        %get3A_579 = arith.constant 96 : index
        %get3A_580 = tpu.vector_load %arg6[%get3A_578, %get3A_579] {strides = array<i32>} : memref<640x128xf32, #tpu.memory_space<vmem>>, vector<1x16xf32>,
        %get3A_581 = vector.shape_cast %get3A_580 : vector<1x16xf32> to vector<16xf32>
        %mul3A_582 = arith.constant 11.3137083 : f32
        %mul3A_583 = vector.broadcast %mul3A_582 : f32 to vector<16xf32>
        %mul3A_584 = arith.mulf %get3A_581, %mul3A_583 : vector<16xf32>
        %swap3A_585 = arith.index_cast %add3A_507 : i32 to index
        %swap3A_586 = arith.constant 96 : index
        %swap3A_587 = tpu.vector_load %arg6[%swap3A_585, %swap3A_586] {strides = array<i32>} : memref<640x128xf32, #tpu.memory_space<vmem>>, vector<1x16xf32>,
        %swap3A_588 = vector.shape_cast %swap3A_587 : vector<1x16xf32> to vector<16xf32>
        %swap3A_589 = vector.shape_cast %mul3A_584 : vector<16xf32> to vector<1x16xf32>
        tpu.vector_store %arg6[%swap3A_585, %swap3A_586], %swap3A_589 {strides = array<i32>} : memref<640x128xf32, #tpu.memory_space<vmem>>, vector<1x16xf32>,
        %get3A_590 = arith.index_cast %add3A_507 : i32 to index
        %get3A_591 = arith.constant 112 : index
        %get3A_592 = tpu.vector_load %arg6[%get3A_590, %get3A_591] {strides = array<i32>} : memref<640x128xf32, #tpu.memory_space<vmem>>, vector<1x16xf32>,
        %get3A_593 = vector.shape_cast %get3A_592 : vector<1x16xf32> to vector<16xf32>
        %mul3A_594 = arith.constant 11.3137083 : f32
        %mul3A_595 = vector.broadcast %mul3A_594 : f32 to vector<16xf32>
        %mul3A_596 = arith.mulf %get3A_593, %mul3A_595 : vector<16xf32>
        %swap3A_597 = arith.index_cast %add3A_507 : i32 to index
        %swap3A_598 = arith.constant 112 : index
        %swap3A_599 = tpu.vector_load %arg6[%swap3A_597, %swap3A_598] {strides = array<i32>} : memref<640x128xf32, #tpu.memory_space<vmem>>, vector<1x16xf32>,
        %swap3A_600 = vector.shape_cast %swap3A_599 : vector<1x16xf32> to vector<16xf32>
        %swap3A_601 = vector.shape_cast %mul3A_596 : vector<16xf32> to vector<1x16xf32>
        tpu.vector_store %arg6[%swap3A_597, %swap3A_598], %swap3A_601 {strides = array<i32>} : memref<640x128xf32, #tpu.memory_space<vmem>>, vector<1x16xf32>,
      }
      %scan3A_288 = arith.constant 80 : i32
      %mul3A_289 = arith.constant 80 : i32
      %mul3A_290 = arith.muli %add3A_272, %mul3A_289 : i32
      %add3A_291 = arith.addi %mul3A_2, %mul3A_290 : i32
      %dma_start3A_292 = arith.constant 240 : i32
      %dma_start3A_293 = arith.constant 0 : i32
      %dma_start3A_294 = tpu.memref_slice %arg6[%dma_start3A_292, %dma_start3A_293] : memref<640x128xf32, #tpu.memory_space<vmem>> -> memref<80x128xf32, #tpu.memory_space<vmem>>
      %dma_start3A_295 = arith.constant 0 : i32
      %dma_start3A_296 = tpu.memref_slice %arg4[%add3A_291, %dma_start3A_295] : memref<204800x128xf32, #tpu.memory_space<hbm>> -> memref<80x128xf32, #tpu.memory_space<hbm>>
      %dma_start3A_297 = arith.constant 0 : i32
      %dma_start3A_298 = tpu.memref_slice %arg4[%add3A_291, %dma_start3A_297] : memref<204800x128xf32, #tpu.memory_space<hbm>> -> memref<80x128xf32, #tpu.memory_space<hbm>>
      %dma_start3A_299 = arith.constant 240 : i32
      %dma_start3A_300 = arith.constant 0 : i32
      %dma_start3A_301 = tpu.memref_slice %arg6[%dma_start3A_299, %dma_start3A_300] : memref<640x128xf32, #tpu.memory_space<vmem>> -> memref<80x128xf32, #tpu.memory_space<vmem>>
      tpu.enqueue_dma source(%dma_start3A_301 : memref<80x128xf32, #tpu.memory_space<vmem>>) target(%dma_start3A_298 : memref<80x128xf32, #tpu.memory_space<hbm>>) target_semaphore(%arg18 : memref<!tpu.dma_semaphore, #tpu.memory_space<semaphore_mem>>)
      %add3A_302 = arith.constant 4 : i32
      %add3A_303 = arith.addi %add3A_272, %add3A_302 : i32
      %ge3A_304 = arith.constant 8 : i32
      %ge3A_305 = arith.cmpi sge, %add3A_303, %ge3A_304 : i32
      %lt3A_306 = arith.constant 80 : i32
      %lt3A_307 = arith.cmpi slt, %add3A_303, %lt3A_306 : i32
      %and3A_308 = arith.andi %ge3A_305, %lt3A_307 : i1
      %convert_element_type3A_309 = arith.extui %and3A_308 : i1 to i32
      %cond3A_310 = arith.constant 0 : i32
      %cond3A_311 = arith.cmpi ne, %convert_element_type3A_309, %cond3A_310 : i32
      scf.if %cond3A_311 {
        %sub3A = arith.constant 8 : i32
        %sub3A_501 = arith.subi %add3A_303, %sub3A : i32
        %mul3A_502 = arith.constant 80 : i32
        %mul3A_503 = arith.muli %sub3A_501, %mul3A_502 : i32
        %add3A_504 = arith.addi %mul3A_2, %mul3A_503 : i32
        %dma_wait3A_505 = arith.constant 560 : i32
        %dma_wait3A_506 = arith.constant 0 : i32
        %dma_wait3A_507 = tpu.memref_slice %arg6[%dma_wait3A_505, %dma_wait3A_506] : memref<640x128xf32, #tpu.memory_space<vmem>> -> memref<80x128xf32, #tpu.memory_space<vmem>>
        %dma_wait3A_508 = arith.constant 0 : i32
        %dma_wait3A_509 = tpu.memref_slice %arg4[%add3A_504, %dma_wait3A_508] : memref<204800x128xf32, #tpu.memory_space<hbm>> -> memref<80x128xf32, #tpu.memory_space<hbm>>
        %dma_wait3A_510 = arith.constant 0 : i32
        %dma_wait3A_511 = tpu.memref_slice %arg4[%add3A_504, %dma_wait3A_510] : memref<204800x128xf32, #tpu.memory_space<hbm>> -> memref<80x128xf32, #tpu.memory_space<hbm>>
        %dma_wait3A_512 = arith.constant 560 : i32
        %dma_wait3A_513 = arith.constant 0 : i32
        %dma_wait3A_514 = tpu.memref_slice %arg6[%dma_wait3A_512, %dma_wait3A_513] : memref<640x128xf32, #tpu.memory_space<vmem>> -> memref<80x128xf32, #tpu.memory_space<vmem>>
        tpu.wait_dma2 semaphore(%arg22 : memref<!tpu.dma_semaphore, #tpu.memory_space<semaphore_mem>>) src(%dma_wait3A_514 : memref<80x128xf32, #tpu.memory_space<vmem>>) dst(%dma_wait3A_511 : memref<80x128xf32, #tpu.memory_space<hbm>>)
      } else {
      }
      %lt3A_312 = arith.constant 80 : i32
      %lt3A_313 = arith.cmpi slt, %add3A_303, %lt3A_312 : i32
      %convert_element_type3A_314 = arith.extui %lt3A_313 : i1 to i32
      %cond3A_315 = arith.constant 0 : i32
      %cond3A_316 = arith.cmpi ne, %convert_element_type3A_314, %cond3A_315 : i32
      scf.if %cond3A_316 {
        %mul3A_501 = arith.constant 80 : i32
        %mul3A_502 = arith.muli %add3A_303, %mul3A_501 : i32
        %add3A_503 = arith.constant 0 : i32
        %add3A_504 = arith.addi %mul3A_502, %add3A_503 : i32
        %dma_start3A_505 = arith.constant 560 : i32
        %dma_start3A_506 = arith.constant 0 : i32
        %dma_start3A_507 = tpu.memref_slice %arg6[%dma_start3A_505, %dma_start3A_506] : memref<640x128xf32, #tpu.memory_space<vmem>> -> memref<80x128xf32, #tpu.memory_space<vmem>>
        %dma_start3A_508 = tpu.memref_slice %arg5[%add3A_504] : memref<6400xi32, #tpu.memory_space<vmem>> -> memref<80xi32, #tpu.memory_space<vmem>>
        %dma_start3A_509 = arith.constant 0 : i32
        %dma_start3A_510 = arith.constant 0 : i32
        %dma_start3A_511 = tpu.memref_slice %arg3[%dma_start3A_509, %dma_start3A_510] : memref<100000x128xf32, #tpu.memory_space<hbm>> -> memref<100000x128xf32, #tpu.memory_space<hbm>>
        tpu.enqueue_indirect_dma source(%dma_start3A_511 : memref<100000x128xf32, #tpu.memory_space<hbm>>) target(%dma_start3A_507 : memref<80x128xf32, #tpu.memory_space<vmem>>) offsets(%dma_start3A_508 : memref<80xi32, #tpu.memory_space<vmem>>) semaphore(%arg14 : memref<!tpu.dma_semaphore, #tpu.memory_space<semaphore_mem>>)
      } else {
      }
      %add3A_317 = arith.constant 4 : i32
      %add3A_318 = arith.addi %add3A_137, %add3A_317 : i32
      %mul3A_319 = arith.constant 80 : i32
      %mul3A_320 = arith.muli %add3A_318, %mul3A_319 : i32
      %add3A_321 = arith.constant 0 : i32
      %add3A_322 = arith.addi %mul3A_320, %add3A_321 : i32
      %dma_wait3A_323 = arith.constant 320 : i32
      %dma_wait3A_324 = arith.constant 0 : i32
      %dma_wait3A_325 = tpu.memref_slice %arg6[%dma_wait3A_323, %dma_wait3A_324] : memref<640x128xf32, #tpu.memory_space<vmem>> -> memref<80x128xf32, #tpu.memory_space<vmem>>
      %dma_wait3A_326 = tpu.memref_slice %arg5[%add3A_322] : memref<6400xi32, #tpu.memory_space<vmem>> -> memref<80xi32, #tpu.memory_space<vmem>>
      %dma_wait3A_327 = arith.constant 0 : i32
      %dma_wait3A_328 = arith.constant 0 : i32
      %dma_wait3A_329 = tpu.memref_slice %arg3[%dma_wait3A_327, %dma_wait3A_328] : memref<100000x128xf32, #tpu.memory_space<hbm>> -> memref<100000x128xf32, #tpu.memory_space<hbm>>
      tpu.wait_indirect_dma semaphore(%arg11 : memref<!tpu.dma_semaphore, #tpu.memory_space<semaphore_mem>>) src(%dma_wait3A_329 : memref<100000x128xf32, #tpu.memory_space<hbm>>) dst(%dma_wait3A_325 : memref<80x128xf32, #tpu.memory_space<vmem>>)
      %scan3A_330 = arith.constant 0 : i32
      %scan3A_331 = arith.constant 80 : i32
      %scan3A_332 = arith.addi %scan3A_330, %scan3A_331 : i32
      %scan3A_333 = arith.constant 1 : i32
      scf.for %scan3A_501 = %scan3A_330 to %scan3A_332 step %scan3A_333  : i32 {
        %mul3A_502 = arith.constant 1 : i32
        %mul3A_503 = arith.muli %scan3A_501, %mul3A_502 : i32
        %add3A_504 = arith.constant 0 : i32
        %add3A_505 = arith.addi %add3A_504, %mul3A_503 : i32
        %add3A_506 = arith.constant 320 : i32
        %add3A_507 = arith.addi %add3A_506, %add3A_505 : i32
        %get3A = arith.index_cast %add3A_507 : i32 to index
        %get3A_508 = arith.constant 0 : index
        %get3A_509 = tpu.vector_load %arg6[%get3A, %get3A_508] {strides = array<i32>} : memref<640x128xf32, #tpu.memory_space<vmem>>, vector<1x16xf32>,
        %get3A_510 = vector.shape_cast %get3A_509 : vector<1x16xf32> to vector<16xf32>
        %mul3A_511 = arith.constant 11.3137083 : f32
        %mul3A_512 = vector.broadcast %mul3A_511 : f32 to vector<16xf32>
        %mul3A_513 = arith.mulf %get3A_510, %mul3A_512 : vector<16xf32>
        %swap3A = arith.index_cast %add3A_507 : i32 to index
        %swap3A_514 = arith.constant 0 : index
        %swap3A_515 = tpu.vector_load %arg6[%swap3A, %swap3A_514] {strides = array<i32>} : memref<640x128xf32, #tpu.memory_space<vmem>>, vector<1x16xf32>,
        %swap3A_516 = vector.shape_cast %swap3A_515 : vector<1x16xf32> to vector<16xf32>
        %swap3A_517 = vector.shape_cast %mul3A_513 : vector<16xf32> to vector<1x16xf32>
        tpu.vector_store %arg6[%swap3A, %swap3A_514], %swap3A_517 {strides = array<i32>} : memref<640x128xf32, #tpu.memory_space<vmem>>, vector<1x16xf32>,
        %get3A_518 = arith.index_cast %add3A_507 : i32 to index
        %get3A_519 = arith.constant 16 : index
        %get3A_520 = tpu.vector_load %arg6[%get3A_518, %get3A_519] {strides = array<i32>} : memref<640x128xf32, #tpu.memory_space<vmem>>, vector<1x16xf32>,
        %get3A_521 = vector.shape_cast %get3A_520 : vector<1x16xf32> to vector<16xf32>
        %mul3A_522 = arith.constant 11.3137083 : f32
        %mul3A_523 = vector.broadcast %mul3A_522 : f32 to vector<16xf32>
        %mul3A_524 = arith.mulf %get3A_521, %mul3A_523 : vector<16xf32>
        %swap3A_525 = arith.index_cast %add3A_507 : i32 to index
        %swap3A_526 = arith.constant 16 : index
        %swap3A_527 = tpu.vector_load %arg6[%swap3A_525, %swap3A_526] {strides = array<i32>} : memref<640x128xf32, #tpu.memory_space<vmem>>, vector<1x16xf32>,
        %swap3A_528 = vector.shape_cast %swap3A_527 : vector<1x16xf32> to vector<16xf32>
        %swap3A_529 = vector.shape_cast %mul3A_524 : vector<16xf32> to vector<1x16xf32>
        tpu.vector_store %arg6[%swap3A_525, %swap3A_526], %swap3A_529 {strides = array<i32>} : memref<640x128xf32, #tpu.memory_space<vmem>>, vector<1x16xf32>,
        %get3A_530 = arith.index_cast %add3A_507 : i32 to index
        %get3A_531 = arith.constant 32 : index
        %get3A_532 = tpu.vector_load %arg6[%get3A_530, %get3A_531] {strides = array<i32>} : memref<640x128xf32, #tpu.memory_space<vmem>>, vector<1x16xf32>,
        %get3A_533 = vector.shape_cast %get3A_532 : vector<1x16xf32> to vector<16xf32>
        %mul3A_534 = arith.constant 11.3137083 : f32
        %mul3A_535 = vector.broadcast %mul3A_534 : f32 to vector<16xf32>
        %mul3A_536 = arith.mulf %get3A_533, %mul3A_535 : vector<16xf32>
        %swap3A_537 = arith.index_cast %add3A_507 : i32 to index
        %swap3A_538 = arith.constant 32 : index
        %swap3A_539 = tpu.vector_load %arg6[%swap3A_537, %swap3A_538] {strides = array<i32>} : memref<640x128xf32, #tpu.memory_space<vmem>>, vector<1x16xf32>,
        %swap3A_540 = vector.shape_cast %swap3A_539 : vector<1x16xf32> to vector<16xf32>
        %swap3A_541 = vector.shape_cast %mul3A_536 : vector<16xf32> to vector<1x16xf32>
        tpu.vector_store %arg6[%swap3A_537, %swap3A_538], %swap3A_541 {strides = array<i32>} : memref<640x128xf32, #tpu.memory_space<vmem>>, vector<1x16xf32>,
        %get3A_542 = arith.index_cast %add3A_507 : i32 to index
        %get3A_543 = arith.constant 48 : index
        %get3A_544 = tpu.vector_load %arg6[%get3A_542, %get3A_543] {strides = array<i32>} : memref<640x128xf32, #tpu.memory_space<vmem>>, vector<1x16xf32>,
        %get3A_545 = vector.shape_cast %get3A_544 : vector<1x16xf32> to vector<16xf32>
        %mul3A_546 = arith.constant 11.3137083 : f32
        %mul3A_547 = vector.broadcast %mul3A_546 : f32 to vector<16xf32>
        %mul3A_548 = arith.mulf %get3A_545, %mul3A_547 : vector<16xf32>
        %swap3A_549 = arith.index_cast %add3A_507 : i32 to index
        %swap3A_550 = arith.constant 48 : index
        %swap3A_551 = tpu.vector_load %arg6[%swap3A_549, %swap3A_550] {strides = array<i32>} : memref<640x128xf32, #tpu.memory_space<vmem>>, vector<1x16xf32>,
        %swap3A_552 = vector.shape_cast %swap3A_551 : vector<1x16xf32> to vector<16xf32>
        %swap3A_553 = vector.shape_cast %mul3A_548 : vector<16xf32> to vector<1x16xf32>
        tpu.vector_store %arg6[%swap3A_549, %swap3A_550], %swap3A_553 {strides = array<i32>} : memref<640x128xf32, #tpu.memory_space<vmem>>, vector<1x16xf32>,
        %get3A_554 = arith.index_cast %add3A_507 : i32 to index
        %get3A_555 = arith.constant 64 : index
        %get3A_556 = tpu.vector_load %arg6[%get3A_554, %get3A_555] {strides = array<i32>} : memref<640x128xf32, #tpu.memory_space<vmem>>, vector<1x16xf32>,
        %get3A_557 = vector.shape_cast %get3A_556 : vector<1x16xf32> to vector<16xf32>
        %mul3A_558 = arith.constant 11.3137083 : f32
        %mul3A_559 = vector.broadcast %mul3A_558 : f32 to vector<16xf32>
        %mul3A_560 = arith.mulf %get3A_557, %mul3A_559 : vector<16xf32>
        %swap3A_561 = arith.index_cast %add3A_507 : i32 to index
        %swap3A_562 = arith.constant 64 : index
        %swap3A_563 = tpu.vector_load %arg6[%swap3A_561, %swap3A_562] {strides = array<i32>} : memref<640x128xf32, #tpu.memory_space<vmem>>, vector<1x16xf32>,
        %swap3A_564 = vector.shape_cast %swap3A_563 : vector<1x16xf32> to vector<16xf32>
        %swap3A_565 = vector.shape_cast %mul3A_560 : vector<16xf32> to vector<1x16xf32>
        tpu.vector_store %arg6[%swap3A_561, %swap3A_562], %swap3A_565 {strides = array<i32>} : memref<640x128xf32, #tpu.memory_space<vmem>>, vector<1x16xf32>,
        %get3A_566 = arith.index_cast %add3A_507 : i32 to index
        %get3A_567 = arith.constant 80 : index
        %get3A_568 = tpu.vector_load %arg6[%get3A_566, %get3A_567] {strides = array<i32>} : memref<640x128xf32, #tpu.memory_space<vmem>>, vector<1x16xf32>,
        %get3A_569 = vector.shape_cast %get3A_568 : vector<1x16xf32> to vector<16xf32>
        %mul3A_570 = arith.constant 11.3137083 : f32
        %mul3A_571 = vector.broadcast %mul3A_570 : f32 to vector<16xf32>
        %mul3A_572 = arith.mulf %get3A_569, %mul3A_571 : vector<16xf32>
        %swap3A_573 = arith.index_cast %add3A_507 : i32 to index
        %swap3A_574 = arith.constant 80 : index
        %swap3A_575 = tpu.vector_load %arg6[%swap3A_573, %swap3A_574] {strides = array<i32>} : memref<640x128xf32, #tpu.memory_space<vmem>>, vector<1x16xf32>,
        %swap3A_576 = vector.shape_cast %swap3A_575 : vector<1x16xf32> to vector<16xf32>
        %swap3A_577 = vector.shape_cast %mul3A_572 : vector<16xf32> to vector<1x16xf32>
        tpu.vector_store %arg6[%swap3A_573, %swap3A_574], %swap3A_577 {strides = array<i32>} : memref<640x128xf32, #tpu.memory_space<vmem>>, vector<1x16xf32>,
        %get3A_578 = arith.index_cast %add3A_507 : i32 to index
        %get3A_579 = arith.constant 96 : index
        %get3A_580 = tpu.vector_load %arg6[%get3A_578, %get3A_579] {strides = array<i32>} : memref<640x128xf32, #tpu.memory_space<vmem>>, vector<1x16xf32>,
        %get3A_581 = vector.shape_cast %get3A_580 : vector<1x16xf32> to vector<16xf32>
        %mul3A_582 = arith.constant 11.3137083 : f32
        %mul3A_583 = vector.broadcast %mul3A_582 : f32 to vector<16xf32>
        %mul3A_584 = arith.mulf %get3A_581, %mul3A_583 : vector<16xf32>
        %swap3A_585 = arith.index_cast %add3A_507 : i32 to index
        %swap3A_586 = arith.constant 96 : index
        %swap3A_587 = tpu.vector_load %arg6[%swap3A_585, %swap3A_586] {strides = array<i32>} : memref<640x128xf32, #tpu.memory_space<vmem>>, vector<1x16xf32>,
        %swap3A_588 = vector.shape_cast %swap3A_587 : vector<1x16xf32> to vector<16xf32>
        %swap3A_589 = vector.shape_cast %mul3A_584 : vector<16xf32> to vector<1x16xf32>
        tpu.vector_store %arg6[%swap3A_585, %swap3A_586], %swap3A_589 {strides = array<i32>} : memref<640x128xf32, #tpu.memory_space<vmem>>, vector<1x16xf32>,
        %get3A_590 = arith.index_cast %add3A_507 : i32 to index
        %get3A_591 = arith.constant 112 : index
        %get3A_592 = tpu.vector_load %arg6[%get3A_590, %get3A_591] {strides = array<i32>} : memref<640x128xf32, #tpu.memory_space<vmem>>, vector<1x16xf32>,
        %get3A_593 = vector.shape_cast %get3A_592 : vector<1x16xf32> to vector<16xf32>
        %mul3A_594 = arith.constant 11.3137083 : f32
        %mul3A_595 = vector.broadcast %mul3A_594 : f32 to vector<16xf32>
        %mul3A_596 = arith.mulf %get3A_593, %mul3A_595 : vector<16xf32>
        %swap3A_597 = arith.index_cast %add3A_507 : i32 to index
        %swap3A_598 = arith.constant 112 : index
        %swap3A_599 = tpu.vector_load %arg6[%swap3A_597, %swap3A_598] {strides = array<i32>} : memref<640x128xf32, #tpu.memory_space<vmem>>, vector<1x16xf32>,
        %swap3A_600 = vector.shape_cast %swap3A_599 : vector<1x16xf32> to vector<16xf32>
        %swap3A_601 = vector.shape_cast %mul3A_596 : vector<16xf32> to vector<1x16xf32>
        tpu.vector_store %arg6[%swap3A_597, %swap3A_598], %swap3A_601 {strides = array<i32>} : memref<640x128xf32, #tpu.memory_space<vmem>>, vector<1x16xf32>,
      }
      %scan3A_334 = arith.constant 80 : i32
      %mul3A_335 = arith.constant 80 : i32
      %mul3A_336 = arith.muli %add3A_318, %mul3A_335 : i32
      %add3A_337 = arith.addi %mul3A_2, %mul3A_336 : i32
      %dma_start3A_338 = arith.constant 320 : i32
      %dma_start3A_339 = arith.constant 0 : i32
      %dma_start3A_340 = tpu.memref_slice %arg6[%dma_start3A_338, %dma_start3A_339] : memref<640x128xf32, #tpu.memory_space<vmem>> -> memref<80x128xf32, #tpu.memory_space<vmem>>
      %dma_start3A_341 = arith.constant 0 : i32
      %dma_start3A_342 = tpu.memref_slice %arg4[%add3A_337, %dma_start3A_341] : memref<204800x128xf32, #tpu.memory_space<hbm>> -> memref<80x128xf32, #tpu.memory_space<hbm>>
      %dma_start3A_343 = arith.constant 0 : i32
      %dma_start3A_344 = tpu.memref_slice %arg4[%add3A_337, %dma_start3A_343] : memref<204800x128xf32, #tpu.memory_space<hbm>> -> memref<80x128xf32, #tpu.memory_space<hbm>>
      %dma_start3A_345 = arith.constant 320 : i32
      %dma_start3A_346 = arith.constant 0 : i32
      %dma_start3A_347 = tpu.memref_slice %arg6[%dma_start3A_345, %dma_start3A_346] : memref<640x128xf32, #tpu.memory_space<vmem>> -> memref<80x128xf32, #tpu.memory_space<vmem>>
      tpu.enqueue_dma source(%dma_start3A_347 : memref<80x128xf32, #tpu.memory_space<vmem>>) target(%dma_start3A_344 : memref<80x128xf32, #tpu.memory_space<hbm>>) target_semaphore(%arg19 : memref<!tpu.dma_semaphore, #tpu.memory_space<semaphore_mem>>)
      %add3A_348 = arith.constant 4 : i32
      %add3A_349 = arith.addi %add3A_318, %add3A_348 : i32
      %ge3A_350 = arith.constant 8 : i32
      %ge3A_351 = arith.cmpi sge, %add3A_349, %ge3A_350 : i32
      %lt3A_352 = arith.constant 80 : i32
      %lt3A_353 = arith.cmpi slt, %add3A_349, %lt3A_352 : i32
      %and3A_354 = arith.andi %ge3A_351, %lt3A_353 : i1
      %convert_element_type3A_355 = arith.extui %and3A_354 : i1 to i32
      %cond3A_356 = arith.constant 0 : i32
      %cond3A_357 = arith.cmpi ne, %convert_element_type3A_355, %cond3A_356 : i32
      scf.if %cond3A_357 {
        %sub3A = arith.constant 8 : i32
        %sub3A_501 = arith.subi %add3A_349, %sub3A : i32
        %mul3A_502 = arith.constant 80 : i32
        %mul3A_503 = arith.muli %sub3A_501, %mul3A_502 : i32
        %add3A_504 = arith.addi %mul3A_2, %mul3A_503 : i32
        %dma_wait3A_505 = arith.constant 0 : i32
        %dma_wait3A_506 = arith.constant 0 : i32
        %dma_wait3A_507 = tpu.memref_slice %arg6[%dma_wait3A_505, %dma_wait3A_506] : memref<640x128xf32, #tpu.memory_space<vmem>> -> memref<80x128xf32, #tpu.memory_space<vmem>>
        %dma_wait3A_508 = arith.constant 0 : i32
        %dma_wait3A_509 = tpu.memref_slice %arg4[%add3A_504, %dma_wait3A_508] : memref<204800x128xf32, #tpu.memory_space<hbm>> -> memref<80x128xf32, #tpu.memory_space<hbm>>
        %dma_wait3A_510 = arith.constant 0 : i32
        %dma_wait3A_511 = tpu.memref_slice %arg4[%add3A_504, %dma_wait3A_510] : memref<204800x128xf32, #tpu.memory_space<hbm>> -> memref<80x128xf32, #tpu.memory_space<hbm>>
        %dma_wait3A_512 = arith.constant 0 : i32
        %dma_wait3A_513 = arith.constant 0 : i32
        %dma_wait3A_514 = tpu.memref_slice %arg6[%dma_wait3A_512, %dma_wait3A_513] : memref<640x128xf32, #tpu.memory_space<vmem>> -> memref<80x128xf32, #tpu.memory_space<vmem>>
        tpu.wait_dma2 semaphore(%arg15 : memref<!tpu.dma_semaphore, #tpu.memory_space<semaphore_mem>>) src(%dma_wait3A_514 : memref<80x128xf32, #tpu.memory_space<vmem>>) dst(%dma_wait3A_511 : memref<80x128xf32, #tpu.memory_space<hbm>>)
      } else {
      }
      %lt3A_358 = arith.constant 80 : i32
      %lt3A_359 = arith.cmpi slt, %add3A_349, %lt3A_358 : i32
      %convert_element_type3A_360 = arith.extui %lt3A_359 : i1 to i32
      %cond3A_361 = arith.constant 0 : i32
      %cond3A_362 = arith.cmpi ne, %convert_element_type3A_360, %cond3A_361 : i32
      scf.if %cond3A_362 {
        %mul3A_501 = arith.constant 80 : i32
        %mul3A_502 = arith.muli %add3A_349, %mul3A_501 : i32
        %add3A_503 = arith.constant 0 : i32
        %add3A_504 = arith.addi %mul3A_502, %add3A_503 : i32
        %dma_start3A_505 = arith.constant 0 : i32
        %dma_start3A_506 = arith.constant 0 : i32
        %dma_start3A_507 = tpu.memref_slice %arg6[%dma_start3A_505, %dma_start3A_506] : memref<640x128xf32, #tpu.memory_space<vmem>> -> memref<80x128xf32, #tpu.memory_space<vmem>>
        %dma_start3A_508 = tpu.memref_slice %arg5[%add3A_504] : memref<6400xi32, #tpu.memory_space<vmem>> -> memref<80xi32, #tpu.memory_space<vmem>>
        %dma_start3A_509 = arith.constant 0 : i32
        %dma_start3A_510 = arith.constant 0 : i32
        %dma_start3A_511 = tpu.memref_slice %arg3[%dma_start3A_509, %dma_start3A_510] : memref<100000x128xf32, #tpu.memory_space<hbm>> -> memref<100000x128xf32, #tpu.memory_space<hbm>>
        tpu.enqueue_indirect_dma source(%dma_start3A_511 : memref<100000x128xf32, #tpu.memory_space<hbm>>) target(%dma_start3A_507 : memref<80x128xf32, #tpu.memory_space<vmem>>) offsets(%dma_start3A_508 : memref<80xi32, #tpu.memory_space<vmem>>) semaphore(%arg7 : memref<!tpu.dma_semaphore, #tpu.memory_space<semaphore_mem>>)
      } else {
      }
      %add3A_363 = arith.constant 5 : i32
      %add3A_364 = arith.addi %add3A_137, %add3A_363 : i32
      %mul3A_365 = arith.constant 80 : i32
      %mul3A_366 = arith.muli %add3A_364, %mul3A_365 : i32
      %add3A_367 = arith.constant 0 : i32
      %add3A_368 = arith.addi %mul3A_366, %add3A_367 : i32
      %dma_wait3A_369 = arith.constant 400 : i32
      %dma_wait3A_370 = arith.constant 0 : i32
      %dma_wait3A_371 = tpu.memref_slice %arg6[%dma_wait3A_369, %dma_wait3A_370] : memref<640x128xf32, #tpu.memory_space<vmem>> -> memref<80x128xf32, #tpu.memory_space<vmem>>
      %dma_wait3A_372 = tpu.memref_slice %arg5[%add3A_368] : memref<6400xi32, #tpu.memory_space<vmem>> -> memref<80xi32, #tpu.memory_space<vmem>>
      %dma_wait3A_373 = arith.constant 0 : i32
      %dma_wait3A_374 = arith.constant 0 : i32
      %dma_wait3A_375 = tpu.memref_slice %arg3[%dma_wait3A_373, %dma_wait3A_374] : memref<100000x128xf32, #tpu.memory_space<hbm>> -> memref<100000x128xf32, #tpu.memory_space<hbm>>
      tpu.wait_indirect_dma semaphore(%arg12 : memref<!tpu.dma_semaphore, #tpu.memory_space<semaphore_mem>>) src(%dma_wait3A_375 : memref<100000x128xf32, #tpu.memory_space<hbm>>) dst(%dma_wait3A_371 : memref<80x128xf32, #tpu.memory_space<vmem>>)
      %scan3A_376 = arith.constant 0 : i32
      %scan3A_377 = arith.constant 80 : i32
      %scan3A_378 = arith.addi %scan3A_376, %scan3A_377 : i32
      %scan3A_379 = arith.constant 1 : i32
      scf.for %scan3A_501 = %scan3A_376 to %scan3A_378 step %scan3A_379  : i32 {
        %mul3A_502 = arith.constant 1 : i32
        %mul3A_503 = arith.muli %scan3A_501, %mul3A_502 : i32
        %add3A_504 = arith.constant 0 : i32
        %add3A_505 = arith.addi %add3A_504, %mul3A_503 : i32
        %add3A_506 = arith.constant 400 : i32
        %add3A_507 = arith.addi %add3A_506, %add3A_505 : i32
        %get3A = arith.index_cast %add3A_507 : i32 to index
        %get3A_508 = arith.constant 0 : index
        %get3A_509 = tpu.vector_load %arg6[%get3A, %get3A_508] {strides = array<i32>} : memref<640x128xf32, #tpu.memory_space<vmem>>, vector<1x16xf32>,
        %get3A_510 = vector.shape_cast %get3A_509 : vector<1x16xf32> to vector<16xf32>
        %mul3A_511 = arith.constant 11.3137083 : f32
        %mul3A_512 = vector.broadcast %mul3A_511 : f32 to vector<16xf32>
        %mul3A_513 = arith.mulf %get3A_510, %mul3A_512 : vector<16xf32>
        %swap3A = arith.index_cast %add3A_507 : i32 to index
        %swap3A_514 = arith.constant 0 : index
        %swap3A_515 = tpu.vector_load %arg6[%swap3A, %swap3A_514] {strides = array<i32>} : memref<640x128xf32, #tpu.memory_space<vmem>>, vector<1x16xf32>,
        %swap3A_516 = vector.shape_cast %swap3A_515 : vector<1x16xf32> to vector<16xf32>
        %swap3A_517 = vector.shape_cast %mul3A_513 : vector<16xf32> to vector<1x16xf32>
        tpu.vector_store %arg6[%swap3A, %swap3A_514], %swap3A_517 {strides = array<i32>} : memref<640x128xf32, #tpu.memory_space<vmem>>, vector<1x16xf32>,
        %get3A_518 = arith.index_cast %add3A_507 : i32 to index
        %get3A_519 = arith.constant 16 : index
        %get3A_520 = tpu.vector_load %arg6[%get3A_518, %get3A_519] {strides = array<i32>} : memref<640x128xf32, #tpu.memory_space<vmem>>, vector<1x16xf32>,
        %get3A_521 = vector.shape_cast %get3A_520 : vector<1x16xf32> to vector<16xf32>
        %mul3A_522 = arith.constant 11.3137083 : f32
        %mul3A_523 = vector.broadcast %mul3A_522 : f32 to vector<16xf32>
        %mul3A_524 = arith.mulf %get3A_521, %mul3A_523 : vector<16xf32>
        %swap3A_525 = arith.index_cast %add3A_507 : i32 to index
        %swap3A_526 = arith.constant 16 : index
        %swap3A_527 = tpu.vector_load %arg6[%swap3A_525, %swap3A_526] {strides = array<i32>} : memref<640x128xf32, #tpu.memory_space<vmem>>, vector<1x16xf32>,
        %swap3A_528 = vector.shape_cast %swap3A_527 : vector<1x16xf32> to vector<16xf32>
        %swap3A_529 = vector.shape_cast %mul3A_524 : vector<16xf32> to vector<1x16xf32>
        tpu.vector_store %arg6[%swap3A_525, %swap3A_526], %swap3A_529 {strides = array<i32>} : memref<640x128xf32, #tpu.memory_space<vmem>>, vector<1x16xf32>,
        %get3A_530 = arith.index_cast %add3A_507 : i32 to index
        %get3A_531 = arith.constant 32 : index
        %get3A_532 = tpu.vector_load %arg6[%get3A_530, %get3A_531] {strides = array<i32>} : memref<640x128xf32, #tpu.memory_space<vmem>>, vector<1x16xf32>,
        %get3A_533 = vector.shape_cast %get3A_532 : vector<1x16xf32> to vector<16xf32>
        %mul3A_534 = arith.constant 11.3137083 : f32
        %mul3A_535 = vector.broadcast %mul3A_534 : f32 to vector<16xf32>
        %mul3A_536 = arith.mulf %get3A_533, %mul3A_535 : vector<16xf32>
        %swap3A_537 = arith.index_cast %add3A_507 : i32 to index
        %swap3A_538 = arith.constant 32 : index
        %swap3A_539 = tpu.vector_load %arg6[%swap3A_537, %swap3A_538] {strides = array<i32>} : memref<640x128xf32, #tpu.memory_space<vmem>>, vector<1x16xf32>,
        %swap3A_540 = vector.shape_cast %swap3A_539 : vector<1x16xf32> to vector<16xf32>
        %swap3A_541 = vector.shape_cast %mul3A_536 : vector<16xf32> to vector<1x16xf32>
        tpu.vector_store %arg6[%swap3A_537, %swap3A_538], %swap3A_541 {strides = array<i32>} : memref<640x128xf32, #tpu.memory_space<vmem>>, vector<1x16xf32>,
        %get3A_542 = arith.index_cast %add3A_507 : i32 to index
        %get3A_543 = arith.constant 48 : index
        %get3A_544 = tpu.vector_load %arg6[%get3A_542, %get3A_543] {strides = array<i32>} : memref<640x128xf32, #tpu.memory_space<vmem>>, vector<1x16xf32>,
        %get3A_545 = vector.shape_cast %get3A_544 : vector<1x16xf32> to vector<16xf32>
        %mul3A_546 = arith.constant 11.3137083 : f32
        %mul3A_547 = vector.broadcast %mul3A_546 : f32 to vector<16xf32>
        %mul3A_548 = arith.mulf %get3A_545, %mul3A_547 : vector<16xf32>
        %swap3A_549 = arith.index_cast %add3A_507 : i32 to index
        %swap3A_550 = arith.constant 48 : index
        %swap3A_551 = tpu.vector_load %arg6[%swap3A_549, %swap3A_550] {strides = array<i32>} : memref<640x128xf32, #tpu.memory_space<vmem>>, vector<1x16xf32>,
        %swap3A_552 = vector.shape_cast %swap3A_551 : vector<1x16xf32> to vector<16xf32>
        %swap3A_553 = vector.shape_cast %mul3A_548 : vector<16xf32> to vector<1x16xf32>
        tpu.vector_store %arg6[%swap3A_549, %swap3A_550], %swap3A_553 {strides = array<i32>} : memref<640x128xf32, #tpu.memory_space<vmem>>, vector<1x16xf32>,
        %get3A_554 = arith.index_cast %add3A_507 : i32 to index
        %get3A_555 = arith.constant 64 : index
        %get3A_556 = tpu.vector_load %arg6[%get3A_554, %get3A_555] {strides = array<i32>} : memref<640x128xf32, #tpu.memory_space<vmem>>, vector<1x16xf32>,
        %get3A_557 = vector.shape_cast %get3A_556 : vector<1x16xf32> to vector<16xf32>
        %mul3A_558 = arith.constant 11.3137083 : f32
        %mul3A_559 = vector.broadcast %mul3A_558 : f32 to vector<16xf32>
        %mul3A_560 = arith.mulf %get3A_557, %mul3A_559 : vector<16xf32>
        %swap3A_561 = arith.index_cast %add3A_507 : i32 to index
        %swap3A_562 = arith.constant 64 : index
        %swap3A_563 = tpu.vector_load %arg6[%swap3A_561, %swap3A_562] {strides = array<i32>} : memref<640x128xf32, #tpu.memory_space<vmem>>, vector<1x16xf32>,
        %swap3A_564 = vector.shape_cast %swap3A_563 : vector<1x16xf32> to vector<16xf32>
        %swap3A_565 = vector.shape_cast %mul3A_560 : vector<16xf32> to vector<1x16xf32>
        tpu.vector_store %arg6[%swap3A_561, %swap3A_562], %swap3A_565 {strides = array<i32>} : memref<640x128xf32, #tpu.memory_space<vmem>>, vector<1x16xf32>,
        %get3A_566 = arith.index_cast %add3A_507 : i32 to index
        %get3A_567 = arith.constant 80 : index
        %get3A_568 = tpu.vector_load %arg6[%get3A_566, %get3A_567] {strides = array<i32>} : memref<640x128xf32, #tpu.memory_space<vmem>>, vector<1x16xf32>,
        %get3A_569 = vector.shape_cast %get3A_568 : vector<1x16xf32> to vector<16xf32>
        %mul3A_570 = arith.constant 11.3137083 : f32
        %mul3A_571 = vector.broadcast %mul3A_570 : f32 to vector<16xf32>
        %mul3A_572 = arith.mulf %get3A_569, %mul3A_571 : vector<16xf32>
        %swap3A_573 = arith.index_cast %add3A_507 : i32 to index
        %swap3A_574 = arith.constant 80 : index
        %swap3A_575 = tpu.vector_load %arg6[%swap3A_573, %swap3A_574] {strides = array<i32>} : memref<640x128xf32, #tpu.memory_space<vmem>>, vector<1x16xf32>,
        %swap3A_576 = vector.shape_cast %swap3A_575 : vector<1x16xf32> to vector<16xf32>
        %swap3A_577 = vector.shape_cast %mul3A_572 : vector<16xf32> to vector<1x16xf32>
        tpu.vector_store %arg6[%swap3A_573, %swap3A_574], %swap3A_577 {strides = array<i32>} : memref<640x128xf32, #tpu.memory_space<vmem>>, vector<1x16xf32>,
        %get3A_578 = arith.index_cast %add3A_507 : i32 to index
        %get3A_579 = arith.constant 96 : index
        %get3A_580 = tpu.vector_load %arg6[%get3A_578, %get3A_579] {strides = array<i32>} : memref<640x128xf32, #tpu.memory_space<vmem>>, vector<1x16xf32>,
        %get3A_581 = vector.shape_cast %get3A_580 : vector<1x16xf32> to vector<16xf32>
        %mul3A_582 = arith.constant 11.3137083 : f32
        %mul3A_583 = vector.broadcast %mul3A_582 : f32 to vector<16xf32>
        %mul3A_584 = arith.mulf %get3A_581, %mul3A_583 : vector<16xf32>
        %swap3A_585 = arith.index_cast %add3A_507 : i32 to index
        %swap3A_586 = arith.constant 96 : index
        %swap3A_587 = tpu.vector_load %arg6[%swap3A_585, %swap3A_586] {strides = array<i32>} : memref<640x128xf32, #tpu.memory_space<vmem>>, vector<1x16xf32>,
        %swap3A_588 = vector.shape_cast %swap3A_587 : vector<1x16xf32> to vector<16xf32>
        %swap3A_589 = vector.shape_cast %mul3A_584 : vector<16xf32> to vector<1x16xf32>
        tpu.vector_store %arg6[%swap3A_585, %swap3A_586], %swap3A_589 {strides = array<i32>} : memref<640x128xf32, #tpu.memory_space<vmem>>, vector<1x16xf32>,
        %get3A_590 = arith.index_cast %add3A_507 : i32 to index
        %get3A_591 = arith.constant 112 : index
        %get3A_592 = tpu.vector_load %arg6[%get3A_590, %get3A_591] {strides = array<i32>} : memref<640x128xf32, #tpu.memory_space<vmem>>, vector<1x16xf32>,
        %get3A_593 = vector.shape_cast %get3A_592 : vector<1x16xf32> to vector<16xf32>
        %mul3A_594 = arith.constant 11.3137083 : f32
        %mul3A_595 = vector.broadcast %mul3A_594 : f32 to vector<16xf32>
        %mul3A_596 = arith.mulf %get3A_593, %mul3A_595 : vector<16xf32>
        %swap3A_597 = arith.index_cast %add3A_507 : i32 to index
        %swap3A_598 = arith.constant 112 : index
        %swap3A_599 = tpu.vector_load %arg6[%swap3A_597, %swap3A_598] {strides = array<i32>} : memref<640x128xf32, #tpu.memory_space<vmem>>, vector<1x16xf32>,
        %swap3A_600 = vector.shape_cast %swap3A_599 : vector<1x16xf32> to vector<16xf32>
        %swap3A_601 = vector.shape_cast %mul3A_596 : vector<16xf32> to vector<1x16xf32>
        tpu.vector_store %arg6[%swap3A_597, %swap3A_598], %swap3A_601 {strides = array<i32>} : memref<640x128xf32, #tpu.memory_space<vmem>>, vector<1x16xf32>,
      }
      %scan3A_380 = arith.constant 80 : i32
      %mul3A_381 = arith.constant 80 : i32
      %mul3A_382 = arith.muli %add3A_364, %mul3A_381 : i32
      %add3A_383 = arith.addi %mul3A_2, %mul3A_382 : i32
      %dma_start3A_384 = arith.constant 400 : i32
      %dma_start3A_385 = arith.constant 0 : i32
      %dma_start3A_386 = tpu.memref_slice %arg6[%dma_start3A_384, %dma_start3A_385] : memref<640x128xf32, #tpu.memory_space<vmem>> -> memref<80x128xf32, #tpu.memory_space<vmem>>
      %dma_start3A_387 = arith.constant 0 : i32
      %dma_start3A_388 = tpu.memref_slice %arg4[%add3A_383, %dma_start3A_387] : memref<204800x128xf32, #tpu.memory_space<hbm>> -> memref<80x128xf32, #tpu.memory_space<hbm>>
      %dma_start3A_389 = arith.constant 0 : i32
      %dma_start3A_390 = tpu.memref_slice %arg4[%add3A_383, %dma_start3A_389] : memref<204800x128xf32, #tpu.memory_space<hbm>> -> memref<80x128xf32, #tpu.memory_space<hbm>>
      %dma_start3A_391 = arith.constant 400 : i32
      %dma_start3A_392 = arith.constant 0 : i32
      %dma_start3A_393 = tpu.memref_slice %arg6[%dma_start3A_391, %dma_start3A_392] : memref<640x128xf32, #tpu.memory_space<vmem>> -> memref<80x128xf32, #tpu.memory_space<vmem>>
      tpu.enqueue_dma source(%dma_start3A_393 : memref<80x128xf32, #tpu.memory_space<vmem>>) target(%dma_start3A_390 : memref<80x128xf32, #tpu.memory_space<hbm>>) target_semaphore(%arg20 : memref<!tpu.dma_semaphore, #tpu.memory_space<semaphore_mem>>)
      %add3A_394 = arith.constant 4 : i32
      %add3A_395 = arith.addi %add3A_364, %add3A_394 : i32
      %ge3A_396 = arith.constant 8 : i32
      %ge3A_397 = arith.cmpi sge, %add3A_395, %ge3A_396 : i32
      %lt3A_398 = arith.constant 80 : i32
      %lt3A_399 = arith.cmpi slt, %add3A_395, %lt3A_398 : i32
      %and3A_400 = arith.andi %ge3A_397, %lt3A_399 : i1
      %convert_element_type3A_401 = arith.extui %and3A_400 : i1 to i32
      %cond3A_402 = arith.constant 0 : i32
      %cond3A_403 = arith.cmpi ne, %convert_element_type3A_401, %cond3A_402 : i32
      scf.if %cond3A_403 {
        %sub3A = arith.constant 8 : i32
        %sub3A_501 = arith.subi %add3A_395, %sub3A : i32
        %mul3A_502 = arith.constant 80 : i32
        %mul3A_503 = arith.muli %sub3A_501, %mul3A_502 : i32
        %add3A_504 = arith.addi %mul3A_2, %mul3A_503 : i32
        %dma_wait3A_505 = arith.constant 80 : i32
        %dma_wait3A_506 = arith.constant 0 : i32
        %dma_wait3A_507 = tpu.memref_slice %arg6[%dma_wait3A_505, %dma_wait3A_506] : memref<640x128xf32, #tpu.memory_space<vmem>> -> memref<80x128xf32, #tpu.memory_space<vmem>>
        %dma_wait3A_508 = arith.constant 0 : i32
        %dma_wait3A_509 = tpu.memref_slice %arg4[%add3A_504, %dma_wait3A_508] : memref<204800x128xf32, #tpu.memory_space<hbm>> -> memref<80x128xf32, #tpu.memory_space<hbm>>
        %dma_wait3A_510 = arith.constant 0 : i32
        %dma_wait3A_511 = tpu.memref_slice %arg4[%add3A_504, %dma_wait3A_510] : memref<204800x128xf32, #tpu.memory_space<hbm>> -> memref<80x128xf32, #tpu.memory_space<hbm>>
        %dma_wait3A_512 = arith.constant 80 : i32
        %dma_wait3A_513 = arith.constant 0 : i32
        %dma_wait3A_514 = tpu.memref_slice %arg6[%dma_wait3A_512, %dma_wait3A_513] : memref<640x128xf32, #tpu.memory_space<vmem>> -> memref<80x128xf32, #tpu.memory_space<vmem>>
        tpu.wait_dma2 semaphore(%arg16 : memref<!tpu.dma_semaphore, #tpu.memory_space<semaphore_mem>>) src(%dma_wait3A_514 : memref<80x128xf32, #tpu.memory_space<vmem>>) dst(%dma_wait3A_511 : memref<80x128xf32, #tpu.memory_space<hbm>>)
      } else {
      }
      %lt3A_404 = arith.constant 80 : i32
      %lt3A_405 = arith.cmpi slt, %add3A_395, %lt3A_404 : i32
      %convert_element_type3A_406 = arith.extui %lt3A_405 : i1 to i32
      %cond3A_407 = arith.constant 0 : i32
      %cond3A_408 = arith.cmpi ne, %convert_element_type3A_406, %cond3A_407 : i32
      scf.if %cond3A_408 {
        %mul3A_501 = arith.constant 80 : i32
        %mul3A_502 = arith.muli %add3A_395, %mul3A_501 : i32
        %add3A_503 = arith.constant 0 : i32
        %add3A_504 = arith.addi %mul3A_502, %add3A_503 : i32
        %dma_start3A_505 = arith.constant 80 : i32
        %dma_start3A_506 = arith.constant 0 : i32
        %dma_start3A_507 = tpu.memref_slice %arg6[%dma_start3A_505, %dma_start3A_506] : memref<640x128xf32, #tpu.memory_space<vmem>> -> memref<80x128xf32, #tpu.memory_space<vmem>>
        %dma_start3A_508 = tpu.memref_slice %arg5[%add3A_504] : memref<6400xi32, #tpu.memory_space<vmem>> -> memref<80xi32, #tpu.memory_space<vmem>>
        %dma_start3A_509 = arith.constant 0 : i32
        %dma_start3A_510 = arith.constant 0 : i32
        %dma_start3A_511 = tpu.memref_slice %arg3[%dma_start3A_509, %dma_start3A_510] : memref<100000x128xf32, #tpu.memory_space<hbm>> -> memref<100000x128xf32, #tpu.memory_space<hbm>>
        tpu.enqueue_indirect_dma source(%dma_start3A_511 : memref<100000x128xf32, #tpu.memory_space<hbm>>) target(%dma_start3A_507 : memref<80x128xf32, #tpu.memory_space<vmem>>) offsets(%dma_start3A_508 : memref<80xi32, #tpu.memory_space<vmem>>) semaphore(%arg8 : memref<!tpu.dma_semaphore, #tpu.memory_space<semaphore_mem>>)
      } else {
      }
      %add3A_409 = arith.constant 6 : i32
      %add3A_410 = arith.addi %add3A_137, %add3A_409 : i32
      %mul3A_411 = arith.constant 80 : i32
      %mul3A_412 = arith.muli %add3A_410, %mul3A_411 : i32
      %add3A_413 = arith.constant 0 : i32
      %add3A_414 = arith.addi %mul3A_412, %add3A_413 : i32
      %dma_wait3A_415 = arith.constant 480 : i32
      %dma_wait3A_416 = arith.constant 0 : i32
      %dma_wait3A_417 = tpu.memref_slice %arg6[%dma_wait3A_415, %dma_wait3A_416] : memref<640x128xf32, #tpu.memory_space<vmem>> -> memref<80x128xf32, #tpu.memory_space<vmem>>
      %dma_wait3A_418 = tpu.memref_slice %arg5[%add3A_414] : memref<6400xi32, #tpu.memory_space<vmem>> -> memref<80xi32, #tpu.memory_space<vmem>>
      %dma_wait3A_419 = arith.constant 0 : i32
      %dma_wait3A_420 = arith.constant 0 : i32
      %dma_wait3A_421 = tpu.memref_slice %arg3[%dma_wait3A_419, %dma_wait3A_420] : memref<100000x128xf32, #tpu.memory_space<hbm>> -> memref<100000x128xf32, #tpu.memory_space<hbm>>
      tpu.wait_indirect_dma semaphore(%arg13 : memref<!tpu.dma_semaphore, #tpu.memory_space<semaphore_mem>>) src(%dma_wait3A_421 : memref<100000x128xf32, #tpu.memory_space<hbm>>) dst(%dma_wait3A_417 : memref<80x128xf32, #tpu.memory_space<vmem>>)
      %scan3A_422 = arith.constant 0 : i32
      %scan3A_423 = arith.constant 80 : i32
      %scan3A_424 = arith.addi %scan3A_422, %scan3A_423 : i32
      %scan3A_425 = arith.constant 1 : i32
      scf.for %scan3A_501 = %scan3A_422 to %scan3A_424 step %scan3A_425  : i32 {
        %mul3A_502 = arith.constant 1 : i32
        %mul3A_503 = arith.muli %scan3A_501, %mul3A_502 : i32
        %add3A_504 = arith.constant 0 : i32
        %add3A_505 = arith.addi %add3A_504, %mul3A_503 : i32
        %add3A_506 = arith.constant 480 : i32
        %add3A_507 = arith.addi %add3A_506, %add3A_505 : i32
        %get3A = arith.index_cast %add3A_507 : i32 to index
        %get3A_508 = arith.constant 0 : index
        %get3A_509 = tpu.vector_load %arg6[%get3A, %get3A_508] {strides = array<i32>} : memref<640x128xf32, #tpu.memory_space<vmem>>, vector<1x16xf32>,
        %get3A_510 = vector.shape_cast %get3A_509 : vector<1x16xf32> to vector<16xf32>
        %mul3A_511 = arith.constant 11.3137083 : f32
        %mul3A_512 = vector.broadcast %mul3A_511 : f32 to vector<16xf32>
        %mul3A_513 = arith.mulf %get3A_510, %mul3A_512 : vector<16xf32>
        %swap3A = arith.index_cast %add3A_507 : i32 to index
        %swap3A_514 = arith.constant 0 : index
        %swap3A_515 = tpu.vector_load %arg6[%swap3A, %swap3A_514] {strides = array<i32>} : memref<640x128xf32, #tpu.memory_space<vmem>>, vector<1x16xf32>,
        %swap3A_516 = vector.shape_cast %swap3A_515 : vector<1x16xf32> to vector<16xf32>
        %swap3A_517 = vector.shape_cast %mul3A_513 : vector<16xf32> to vector<1x16xf32>
        tpu.vector_store %arg6[%swap3A, %swap3A_514], %swap3A_517 {strides = array<i32>} : memref<640x128xf32, #tpu.memory_space<vmem>>, vector<1x16xf32>,
        %get3A_518 = arith.index_cast %add3A_507 : i32 to index
        %get3A_519 = arith.constant 16 : index
        %get3A_520 = tpu.vector_load %arg6[%get3A_518, %get3A_519] {strides = array<i32>} : memref<640x128xf32, #tpu.memory_space<vmem>>, vector<1x16xf32>,
        %get3A_521 = vector.shape_cast %get3A_520 : vector<1x16xf32> to vector<16xf32>
        %mul3A_522 = arith.constant 11.3137083 : f32
        %mul3A_523 = vector.broadcast %mul3A_522 : f32 to vector<16xf32>
        %mul3A_524 = arith.mulf %get3A_521, %mul3A_523 : vector<16xf32>
        %swap3A_525 = arith.index_cast %add3A_507 : i32 to index
        %swap3A_526 = arith.constant 16 : index
        %swap3A_527 = tpu.vector_load %arg6[%swap3A_525, %swap3A_526] {strides = array<i32>} : memref<640x128xf32, #tpu.memory_space<vmem>>, vector<1x16xf32>,
        %swap3A_528 = vector.shape_cast %swap3A_527 : vector<1x16xf32> to vector<16xf32>
        %swap3A_529 = vector.shape_cast %mul3A_524 : vector<16xf32> to vector<1x16xf32>
        tpu.vector_store %arg6[%swap3A_525, %swap3A_526], %swap3A_529 {strides = array<i32>} : memref<640x128xf32, #tpu.memory_space<vmem>>, vector<1x16xf32>,
        %get3A_530 = arith.index_cast %add3A_507 : i32 to index
        %get3A_531 = arith.constant 32 : index
        %get3A_532 = tpu.vector_load %arg6[%get3A_530, %get3A_531] {strides = array<i32>} : memref<640x128xf32, #tpu.memory_space<vmem>>, vector<1x16xf32>,
        %get3A_533 = vector.shape_cast %get3A_532 : vector<1x16xf32> to vector<16xf32>
        %mul3A_534 = arith.constant 11.3137083 : f32
        %mul3A_535 = vector.broadcast %mul3A_534 : f32 to vector<16xf32>
        %mul3A_536 = arith.mulf %get3A_533, %mul3A_535 : vector<16xf32>
        %swap3A_537 = arith.index_cast %add3A_507 : i32 to index
        %swap3A_538 = arith.constant 32 : index
        %swap3A_539 = tpu.vector_load %arg6[%swap3A_537, %swap3A_538] {strides = array<i32>} : memref<640x128xf32, #tpu.memory_space<vmem>>, vector<1x16xf32>,
        %swap3A_540 = vector.shape_cast %swap3A_539 : vector<1x16xf32> to vector<16xf32>
        %swap3A_541 = vector.shape_cast %mul3A_536 : vector<16xf32> to vector<1x16xf32>
        tpu.vector_store %arg6[%swap3A_537, %swap3A_538], %swap3A_541 {strides = array<i32>} : memref<640x128xf32, #tpu.memory_space<vmem>>, vector<1x16xf32>,
        %get3A_542 = arith.index_cast %add3A_507 : i32 to index
        %get3A_543 = arith.constant 48 : index
        %get3A_544 = tpu.vector_load %arg6[%get3A_542, %get3A_543] {strides = array<i32>} : memref<640x128xf32, #tpu.memory_space<vmem>>, vector<1x16xf32>,
        %get3A_545 = vector.shape_cast %get3A_544 : vector<1x16xf32> to vector<16xf32>
        %mul3A_546 = arith.constant 11.3137083 : f32
        %mul3A_547 = vector.broadcast %mul3A_546 : f32 to vector<16xf32>
        %mul3A_548 = arith.mulf %get3A_545, %mul3A_547 : vector<16xf32>
        %swap3A_549 = arith.index_cast %add3A_507 : i32 to index
        %swap3A_550 = arith.constant 48 : index
        %swap3A_551 = tpu.vector_load %arg6[%swap3A_549, %swap3A_550] {strides = array<i32>} : memref<640x128xf32, #tpu.memory_space<vmem>>, vector<1x16xf32>,
        %swap3A_552 = vector.shape_cast %swap3A_551 : vector<1x16xf32> to vector<16xf32>
        %swap3A_553 = vector.shape_cast %mul3A_548 : vector<16xf32> to vector<1x16xf32>
        tpu.vector_store %arg6[%swap3A_549, %swap3A_550], %swap3A_553 {strides = array<i32>} : memref<640x128xf32, #tpu.memory_space<vmem>>, vector<1x16xf32>,
        %get3A_554 = arith.index_cast %add3A_507 : i32 to index
        %get3A_555 = arith.constant 64 : index
        %get3A_556 = tpu.vector_load %arg6[%get3A_554, %get3A_555] {strides = array<i32>} : memref<640x128xf32, #tpu.memory_space<vmem>>, vector<1x16xf32>,
        %get3A_557 = vector.shape_cast %get3A_556 : vector<1x16xf32> to vector<16xf32>
        %mul3A_558 = arith.constant 11.3137083 : f32
        %mul3A_559 = vector.broadcast %mul3A_558 : f32 to vector<16xf32>
        %mul3A_560 = arith.mulf %get3A_557, %mul3A_559 : vector<16xf32>
        %swap3A_561 = arith.index_cast %add3A_507 : i32 to index
        %swap3A_562 = arith.constant 64 : index
        %swap3A_563 = tpu.vector_load %arg6[%swap3A_561, %swap3A_562] {strides = array<i32>} : memref<640x128xf32, #tpu.memory_space<vmem>>, vector<1x16xf32>,
        %swap3A_564 = vector.shape_cast %swap3A_563 : vector<1x16xf32> to vector<16xf32>
        %swap3A_565 = vector.shape_cast %mul3A_560 : vector<16xf32> to vector<1x16xf32>
        tpu.vector_store %arg6[%swap3A_561, %swap3A_562], %swap3A_565 {strides = array<i32>} : memref<640x128xf32, #tpu.memory_space<vmem>>, vector<1x16xf32>,
        %get3A_566 = arith.index_cast %add3A_507 : i32 to index
        %get3A_567 = arith.constant 80 : index
        %get3A_568 = tpu.vector_load %arg6[%get3A_566, %get3A_567] {strides = array<i32>} : memref<640x128xf32, #tpu.memory_space<vmem>>, vector<1x16xf32>,
        %get3A_569 = vector.shape_cast %get3A_568 : vector<1x16xf32> to vector<16xf32>
        %mul3A_570 = arith.constant 11.3137083 : f32
        %mul3A_571 = vector.broadcast %mul3A_570 : f32 to vector<16xf32>
        %mul3A_572 = arith.mulf %get3A_569, %mul3A_571 : vector<16xf32>
        %swap3A_573 = arith.index_cast %add3A_507 : i32 to index
        %swap3A_574 = arith.constant 80 : index
        %swap3A_575 = tpu.vector_load %arg6[%swap3A_573, %swap3A_574] {strides = array<i32>} : memref<640x128xf32, #tpu.memory_space<vmem>>, vector<1x16xf32>,
        %swap3A_576 = vector.shape_cast %swap3A_575 : vector<1x16xf32> to vector<16xf32>
        %swap3A_577 = vector.shape_cast %mul3A_572 : vector<16xf32> to vector<1x16xf32>
        tpu.vector_store %arg6[%swap3A_573, %swap3A_574], %swap3A_577 {strides = array<i32>} : memref<640x128xf32, #tpu.memory_space<vmem>>, vector<1x16xf32>,
        %get3A_578 = arith.index_cast %add3A_507 : i32 to index
        %get3A_579 = arith.constant 96 : index
        %get3A_580 = tpu.vector_load %arg6[%get3A_578, %get3A_579] {strides = array<i32>} : memref<640x128xf32, #tpu.memory_space<vmem>>, vector<1x16xf32>,
        %get3A_581 = vector.shape_cast %get3A_580 : vector<1x16xf32> to vector<16xf32>
        %mul3A_582 = arith.constant 11.3137083 : f32
        %mul3A_583 = vector.broadcast %mul3A_582 : f32 to vector<16xf32>
        %mul3A_584 = arith.mulf %get3A_581, %mul3A_583 : vector<16xf32>
        %swap3A_585 = arith.index_cast %add3A_507 : i32 to index
        %swap3A_586 = arith.constant 96 : index
        %swap3A_587 = tpu.vector_load %arg6[%swap3A_585, %swap3A_586] {strides = array<i32>} : memref<640x128xf32, #tpu.memory_space<vmem>>, vector<1x16xf32>,
        %swap3A_588 = vector.shape_cast %swap3A_587 : vector<1x16xf32> to vector<16xf32>
        %swap3A_589 = vector.shape_cast %mul3A_584 : vector<16xf32> to vector<1x16xf32>
        tpu.vector_store %arg6[%swap3A_585, %swap3A_586], %swap3A_589 {strides = array<i32>} : memref<640x128xf32, #tpu.memory_space<vmem>>, vector<1x16xf32>,
        %get3A_590 = arith.index_cast %add3A_507 : i32 to index
        %get3A_591 = arith.constant 112 : index
        %get3A_592 = tpu.vector_load %arg6[%get3A_590, %get3A_591] {strides = array<i32>} : memref<640x128xf32, #tpu.memory_space<vmem>>, vector<1x16xf32>,
        %get3A_593 = vector.shape_cast %get3A_592 : vector<1x16xf32> to vector<16xf32>
        %mul3A_594 = arith.constant 11.3137083 : f32
        %mul3A_595 = vector.broadcast %mul3A_594 : f32 to vector<16xf32>
        %mul3A_596 = arith.mulf %get3A_593, %mul3A_595 : vector<16xf32>
        %swap3A_597 = arith.index_cast %add3A_507 : i32 to index
        %swap3A_598 = arith.constant 112 : index
        %swap3A_599 = tpu.vector_load %arg6[%swap3A_597, %swap3A_598] {strides = array<i32>} : memref<640x128xf32, #tpu.memory_space<vmem>>, vector<1x16xf32>,
        %swap3A_600 = vector.shape_cast %swap3A_599 : vector<1x16xf32> to vector<16xf32>
        %swap3A_601 = vector.shape_cast %mul3A_596 : vector<16xf32> to vector<1x16xf32>
        tpu.vector_store %arg6[%swap3A_597, %swap3A_598], %swap3A_601 {strides = array<i32>} : memref<640x128xf32, #tpu.memory_space<vmem>>, vector<1x16xf32>,
      }
      %scan3A_426 = arith.constant 80 : i32
      %mul3A_427 = arith.constant 80 : i32
      %mul3A_428 = arith.muli %add3A_410, %mul3A_427 : i32
      %add3A_429 = arith.addi %mul3A_2, %mul3A_428 : i32
      %dma_start3A_430 = arith.constant 480 : i32
      %dma_start3A_431 = arith.constant 0 : i32
      %dma_start3A_432 = tpu.memref_slice %arg6[%dma_start3A_430, %dma_start3A_431] : memref<640x128xf32, #tpu.memory_space<vmem>> -> memref<80x128xf32, #tpu.memory_space<vmem>>
      %dma_start3A_433 = arith.constant 0 : i32
      %dma_start3A_434 = tpu.memref_slice %arg4[%add3A_429, %dma_start3A_433] : memref<204800x128xf32, #tpu.memory_space<hbm>> -> memref<80x128xf32, #tpu.memory_space<hbm>>
      %dma_start3A_435 = arith.constant 0 : i32
      %dma_start3A_436 = tpu.memref_slice %arg4[%add3A_429, %dma_start3A_435] : memref<204800x128xf32, #tpu.memory_space<hbm>> -> memref<80x128xf32, #tpu.memory_space<hbm>>
      %dma_start3A_437 = arith.constant 480 : i32
      %dma_start3A_438 = arith.constant 0 : i32
      %dma_start3A_439 = tpu.memref_slice %arg6[%dma_start3A_437, %dma_start3A_438] : memref<640x128xf32, #tpu.memory_space<vmem>> -> memref<80x128xf32, #tpu.memory_space<vmem>>
      tpu.enqueue_dma source(%dma_start3A_439 : memref<80x128xf32, #tpu.memory_space<vmem>>) target(%dma_start3A_436 : memref<80x128xf32, #tpu.memory_space<hbm>>) target_semaphore(%arg21 : memref<!tpu.dma_semaphore, #tpu.memory_space<semaphore_mem>>)
      %add3A_440 = arith.constant 4 : i32
      %add3A_441 = arith.addi %add3A_410, %add3A_440 : i32
      %ge3A_442 = arith.constant 8 : i32
      %ge3A_443 = arith.cmpi sge, %add3A_441, %ge3A_442 : i32
      %lt3A_444 = arith.constant 80 : i32
      %lt3A_445 = arith.cmpi slt, %add3A_441, %lt3A_444 : i32
      %and3A_446 = arith.andi %ge3A_443, %lt3A_445 : i1
      %convert_element_type3A_447 = arith.extui %and3A_446 : i1 to i32
      %cond3A_448 = arith.constant 0 : i32
      %cond3A_449 = arith.cmpi ne, %convert_element_type3A_447, %cond3A_448 : i32
      scf.if %cond3A_449 {
        %sub3A = arith.constant 8 : i32
        %sub3A_501 = arith.subi %add3A_441, %sub3A : i32
        %mul3A_502 = arith.constant 80 : i32
        %mul3A_503 = arith.muli %sub3A_501, %mul3A_502 : i32
        %add3A_504 = arith.addi %mul3A_2, %mul3A_503 : i32
        %dma_wait3A_505 = arith.constant 160 : i32
        %dma_wait3A_506 = arith.constant 0 : i32
        %dma_wait3A_507 = tpu.memref_slice %arg6[%dma_wait3A_505, %dma_wait3A_506] : memref<640x128xf32, #tpu.memory_space<vmem>> -> memref<80x128xf32, #tpu.memory_space<vmem>>
        %dma_wait3A_508 = arith.constant 0 : i32
        %dma_wait3A_509 = tpu.memref_slice %arg4[%add3A_504, %dma_wait3A_508] : memref<204800x128xf32, #tpu.memory_space<hbm>> -> memref<80x128xf32, #tpu.memory_space<hbm>>
        %dma_wait3A_510 = arith.constant 0 : i32
        %dma_wait3A_511 = tpu.memref_slice %arg4[%add3A_504, %dma_wait3A_510] : memref<204800x128xf32, #tpu.memory_space<hbm>> -> memref<80x128xf32, #tpu.memory_space<hbm>>
        %dma_wait3A_512 = arith.constant 160 : i32
        %dma_wait3A_513 = arith.constant 0 : i32
        %dma_wait3A_514 = tpu.memref_slice %arg6[%dma_wait3A_512, %dma_wait3A_513] : memref<640x128xf32, #tpu.memory_space<vmem>> -> memref<80x128xf32, #tpu.memory_space<vmem>>
        tpu.wait_dma2 semaphore(%arg17 : memref<!tpu.dma_semaphore, #tpu.memory_space<semaphore_mem>>) src(%dma_wait3A_514 : memref<80x128xf32, #tpu.memory_space<vmem>>) dst(%dma_wait3A_511 : memref<80x128xf32, #tpu.memory_space<hbm>>)
      } else {
      }
      %lt3A_450 = arith.constant 80 : i32
      %lt3A_451 = arith.cmpi slt, %add3A_441, %lt3A_450 : i32
      %convert_element_type3A_452 = arith.extui %lt3A_451 : i1 to i32
      %cond3A_453 = arith.constant 0 : i32
      %cond3A_454 = arith.cmpi ne, %convert_element_type3A_452, %cond3A_453 : i32
      scf.if %cond3A_454 {
        %mul3A_501 = arith.constant 80 : i32
        %mul3A_502 = arith.muli %add3A_441, %mul3A_501 : i32
        %add3A_503 = arith.constant 0 : i32
        %add3A_504 = arith.addi %mul3A_502, %add3A_503 : i32
        %dma_start3A_505 = arith.constant 160 : i32
        %dma_start3A_506 = arith.constant 0 : i32
        %dma_start3A_507 = tpu.memref_slice %arg6[%dma_start3A_505, %dma_start3A_506] : memref<640x128xf32, #tpu.memory_space<vmem>> -> memref<80x128xf32, #tpu.memory_space<vmem>>
        %dma_start3A_508 = tpu.memref_slice %arg5[%add3A_504] : memref<6400xi32, #tpu.memory_space<vmem>> -> memref<80xi32, #tpu.memory_space<vmem>>
        %dma_start3A_509 = arith.constant 0 : i32
        %dma_start3A_510 = arith.constant 0 : i32
        %dma_start3A_511 = tpu.memref_slice %arg3[%dma_start3A_509, %dma_start3A_510] : memref<100000x128xf32, #tpu.memory_space<hbm>> -> memref<100000x128xf32, #tpu.memory_space<hbm>>
        tpu.enqueue_indirect_dma source(%dma_start3A_511 : memref<100000x128xf32, #tpu.memory_space<hbm>>) target(%dma_start3A_507 : memref<80x128xf32, #tpu.memory_space<vmem>>) offsets(%dma_start3A_508 : memref<80xi32, #tpu.memory_space<vmem>>) semaphore(%arg9 : memref<!tpu.dma_semaphore, #tpu.memory_space<semaphore_mem>>)
      } else {
      }
      %add3A_455 = arith.constant 7 : i32
      %add3A_456 = arith.addi %add3A_137, %add3A_455 : i32
      %mul3A_457 = arith.constant 80 : i32
      %mul3A_458 = arith.muli %add3A_456, %mul3A_457 : i32
      %add3A_459 = arith.constant 0 : i32
      %add3A_460 = arith.addi %mul3A_458, %add3A_459 : i32
      %dma_wait3A_461 = arith.constant 560 : i32
      %dma_wait3A_462 = arith.constant 0 : i32
      %dma_wait3A_463 = tpu.memref_slice %arg6[%dma_wait3A_461, %dma_wait3A_462] : memref<640x128xf32, #tpu.memory_space<vmem>> -> memref<80x128xf32, #tpu.memory_space<vmem>>
      %dma_wait3A_464 = tpu.memref_slice %arg5[%add3A_460] : memref<6400xi32, #tpu.memory_space<vmem>> -> memref<80xi32, #tpu.memory_space<vmem>>
      %dma_wait3A_465 = arith.constant 0 : i32
      %dma_wait3A_466 = arith.constant 0 : i32
      %dma_wait3A_467 = tpu.memref_slice %arg3[%dma_wait3A_465, %dma_wait3A_466] : memref<100000x128xf32, #tpu.memory_space<hbm>> -> memref<100000x128xf32, #tpu.memory_space<hbm>>
      tpu.wait_indirect_dma semaphore(%arg14 : memref<!tpu.dma_semaphore, #tpu.memory_space<semaphore_mem>>) src(%dma_wait3A_467 : memref<100000x128xf32, #tpu.memory_space<hbm>>) dst(%dma_wait3A_463 : memref<80x128xf32, #tpu.memory_space<vmem>>)
      %scan3A_468 = arith.constant 0 : i32
      %scan3A_469 = arith.constant 80 : i32
      %scan3A_470 = arith.addi %scan3A_468, %scan3A_469 : i32
      %scan3A_471 = arith.constant 1 : i32
      scf.for %scan3A_501 = %scan3A_468 to %scan3A_470 step %scan3A_471  : i32 {
        %mul3A_502 = arith.constant 1 : i32
        %mul3A_503 = arith.muli %scan3A_501, %mul3A_502 : i32
        %add3A_504 = arith.constant 0 : i32
        %add3A_505 = arith.addi %add3A_504, %mul3A_503 : i32
        %add3A_506 = arith.constant 560 : i32
        %add3A_507 = arith.addi %add3A_506, %add3A_505 : i32
        %get3A = arith.index_cast %add3A_507 : i32 to index
        %get3A_508 = arith.constant 0 : index
        %get3A_509 = tpu.vector_load %arg6[%get3A, %get3A_508] {strides = array<i32>} : memref<640x128xf32, #tpu.memory_space<vmem>>, vector<1x16xf32>,
        %get3A_510 = vector.shape_cast %get3A_509 : vector<1x16xf32> to vector<16xf32>
        %mul3A_511 = arith.constant 11.3137083 : f32
        %mul3A_512 = vector.broadcast %mul3A_511 : f32 to vector<16xf32>
        %mul3A_513 = arith.mulf %get3A_510, %mul3A_512 : vector<16xf32>
        %swap3A = arith.index_cast %add3A_507 : i32 to index
        %swap3A_514 = arith.constant 0 : index
        %swap3A_515 = tpu.vector_load %arg6[%swap3A, %swap3A_514] {strides = array<i32>} : memref<640x128xf32, #tpu.memory_space<vmem>>, vector<1x16xf32>,
        %swap3A_516 = vector.shape_cast %swap3A_515 : vector<1x16xf32> to vector<16xf32>
        %swap3A_517 = vector.shape_cast %mul3A_513 : vector<16xf32> to vector<1x16xf32>
        tpu.vector_store %arg6[%swap3A, %swap3A_514], %swap3A_517 {strides = array<i32>} : memref<640x128xf32, #tpu.memory_space<vmem>>, vector<1x16xf32>,
        %get3A_518 = arith.index_cast %add3A_507 : i32 to index
        %get3A_519 = arith.constant 16 : index
        %get3A_520 = tpu.vector_load %arg6[%get3A_518, %get3A_519] {strides = array<i32>} : memref<640x128xf32, #tpu.memory_space<vmem>>, vector<1x16xf32>,
        %get3A_521 = vector.shape_cast %get3A_520 : vector<1x16xf32> to vector<16xf32>
        %mul3A_522 = arith.constant 11.3137083 : f32
        %mul3A_523 = vector.broadcast %mul3A_522 : f32 to vector<16xf32>
        %mul3A_524 = arith.mulf %get3A_521, %mul3A_523 : vector<16xf32>
        %swap3A_525 = arith.index_cast %add3A_507 : i32 to index
        %swap3A_526 = arith.constant 16 : index
        %swap3A_527 = tpu.vector_load %arg6[%swap3A_525, %swap3A_526] {strides = array<i32>} : memref<640x128xf32, #tpu.memory_space<vmem>>, vector<1x16xf32>,
        %swap3A_528 = vector.shape_cast %swap3A_527 : vector<1x16xf32> to vector<16xf32>
        %swap3A_529 = vector.shape_cast %mul3A_524 : vector<16xf32> to vector<1x16xf32>
        tpu.vector_store %arg6[%swap3A_525, %swap3A_526], %swap3A_529 {strides = array<i32>} : memref<640x128xf32, #tpu.memory_space<vmem>>, vector<1x16xf32>,
        %get3A_530 = arith.index_cast %add3A_507 : i32 to index
        %get3A_531 = arith.constant 32 : index
        %get3A_532 = tpu.vector_load %arg6[%get3A_530, %get3A_531] {strides = array<i32>} : memref<640x128xf32, #tpu.memory_space<vmem>>, vector<1x16xf32>,
        %get3A_533 = vector.shape_cast %get3A_532 : vector<1x16xf32> to vector<16xf32>
        %mul3A_534 = arith.constant 11.3137083 : f32
        %mul3A_535 = vector.broadcast %mul3A_534 : f32 to vector<16xf32>
        %mul3A_536 = arith.mulf %get3A_533, %mul3A_535 : vector<16xf32>
        %swap3A_537 = arith.index_cast %add3A_507 : i32 to index
        %swap3A_538 = arith.constant 32 : index
        %swap3A_539 = tpu.vector_load %arg6[%swap3A_537, %swap3A_538] {strides = array<i32>} : memref<640x128xf32, #tpu.memory_space<vmem>>, vector<1x16xf32>,
        %swap3A_540 = vector.shape_cast %swap3A_539 : vector<1x16xf32> to vector<16xf32>
        %swap3A_541 = vector.shape_cast %mul3A_536 : vector<16xf32> to vector<1x16xf32>
        tpu.vector_store %arg6[%swap3A_537, %swap3A_538], %swap3A_541 {strides = array<i32>} : memref<640x128xf32, #tpu.memory_space<vmem>>, vector<1x16xf32>,
        %get3A_542 = arith.index_cast %add3A_507 : i32 to index
        %get3A_543 = arith.constant 48 : index
        %get3A_544 = tpu.vector_load %arg6[%get3A_542, %get3A_543] {strides = array<i32>} : memref<640x128xf32, #tpu.memory_space<vmem>>, vector<1x16xf32>,
        %get3A_545 = vector.shape_cast %get3A_544 : vector<1x16xf32> to vector<16xf32>
        %mul3A_546 = arith.constant 11.3137083 : f32
        %mul3A_547 = vector.broadcast %mul3A_546 : f32 to vector<16xf32>
        %mul3A_548 = arith.mulf %get3A_545, %mul3A_547 : vector<16xf32>
        %swap3A_549 = arith.index_cast %add3A_507 : i32 to index
        %swap3A_550 = arith.constant 48 : index
        %swap3A_551 = tpu.vector_load %arg6[%swap3A_549, %swap3A_550] {strides = array<i32>} : memref<640x128xf32, #tpu.memory_space<vmem>>, vector<1x16xf32>,
        %swap3A_552 = vector.shape_cast %swap3A_551 : vector<1x16xf32> to vector<16xf32>
        %swap3A_553 = vector.shape_cast %mul3A_548 : vector<16xf32> to vector<1x16xf32>
        tpu.vector_store %arg6[%swap3A_549, %swap3A_550], %swap3A_553 {strides = array<i32>} : memref<640x128xf32, #tpu.memory_space<vmem>>, vector<1x16xf32>,
        %get3A_554 = arith.index_cast %add3A_507 : i32 to index
        %get3A_555 = arith.constant 64 : index
        %get3A_556 = tpu.vector_load %arg6[%get3A_554, %get3A_555] {strides = array<i32>} : memref<640x128xf32, #tpu.memory_space<vmem>>, vector<1x16xf32>,
        %get3A_557 = vector.shape_cast %get3A_556 : vector<1x16xf32> to vector<16xf32>
        %mul3A_558 = arith.constant 11.3137083 : f32
        %mul3A_559 = vector.broadcast %mul3A_558 : f32 to vector<16xf32>
        %mul3A_560 = arith.mulf %get3A_557, %mul3A_559 : vector<16xf32>
        %swap3A_561 = arith.index_cast %add3A_507 : i32 to index
        %swap3A_562 = arith.constant 64 : index
        %swap3A_563 = tpu.vector_load %arg6[%swap3A_561, %swap3A_562] {strides = array<i32>} : memref<640x128xf32, #tpu.memory_space<vmem>>, vector<1x16xf32>,
        %swap3A_564 = vector.shape_cast %swap3A_563 : vector<1x16xf32> to vector<16xf32>
        %swap3A_565 = vector.shape_cast %mul3A_560 : vector<16xf32> to vector<1x16xf32>
        tpu.vector_store %arg6[%swap3A_561, %swap3A_562], %swap3A_565 {strides = array<i32>} : memref<640x128xf32, #tpu.memory_space<vmem>>, vector<1x16xf32>,
        %get3A_566 = arith.index_cast %add3A_507 : i32 to index
        %get3A_567 = arith.constant 80 : index
        %get3A_568 = tpu.vector_load %arg6[%get3A_566, %get3A_567] {strides = array<i32>} : memref<640x128xf32, #tpu.memory_space<vmem>>, vector<1x16xf32>,
        %get3A_569 = vector.shape_cast %get3A_568 : vector<1x16xf32> to vector<16xf32>
        %mul3A_570 = arith.constant 11.3137083 : f32
        %mul3A_571 = vector.broadcast %mul3A_570 : f32 to vector<16xf32>
        %mul3A_572 = arith.mulf %get3A_569, %mul3A_571 : vector<16xf32>
        %swap3A_573 = arith.index_cast %add3A_507 : i32 to index
        %swap3A_574 = arith.constant 80 : index
        %swap3A_575 = tpu.vector_load %arg6[%swap3A_573, %swap3A_574] {strides = array<i32>} : memref<640x128xf32, #tpu.memory_space<vmem>>, vector<1x16xf32>,
        %swap3A_576 = vector.shape_cast %swap3A_575 : vector<1x16xf32> to vector<16xf32>
        %swap3A_577 = vector.shape_cast %mul3A_572 : vector<16xf32> to vector<1x16xf32>
        tpu.vector_store %arg6[%swap3A_573, %swap3A_574], %swap3A_577 {strides = array<i32>} : memref<640x128xf32, #tpu.memory_space<vmem>>, vector<1x16xf32>,
        %get3A_578 = arith.index_cast %add3A_507 : i32 to index
        %get3A_579 = arith.constant 96 : index
        %get3A_580 = tpu.vector_load %arg6[%get3A_578, %get3A_579] {strides = array<i32>} : memref<640x128xf32, #tpu.memory_space<vmem>>, vector<1x16xf32>,
        %get3A_581 = vector.shape_cast %get3A_580 : vector<1x16xf32> to vector<16xf32>
        %mul3A_582 = arith.constant 11.3137083 : f32
        %mul3A_583 = vector.broadcast %mul3A_582 : f32 to vector<16xf32>
        %mul3A_584 = arith.mulf %get3A_581, %mul3A_583 : vector<16xf32>
        %swap3A_585 = arith.index_cast %add3A_507 : i32 to index
        %swap3A_586 = arith.constant 96 : index
        %swap3A_587 = tpu.vector_load %arg6[%swap3A_585, %swap3A_586] {strides = array<i32>} : memref<640x128xf32, #tpu.memory_space<vmem>>, vector<1x16xf32>,
        %swap3A_588 = vector.shape_cast %swap3A_587 : vector<1x16xf32> to vector<16xf32>
        %swap3A_589 = vector.shape_cast %mul3A_584 : vector<16xf32> to vector<1x16xf32>
        tpu.vector_store %arg6[%swap3A_585, %swap3A_586], %swap3A_589 {strides = array<i32>} : memref<640x128xf32, #tpu.memory_space<vmem>>, vector<1x16xf32>,
        %get3A_590 = arith.index_cast %add3A_507 : i32 to index
        %get3A_591 = arith.constant 112 : index
        %get3A_592 = tpu.vector_load %arg6[%get3A_590, %get3A_591] {strides = array<i32>} : memref<640x128xf32, #tpu.memory_space<vmem>>, vector<1x16xf32>,
        %get3A_593 = vector.shape_cast %get3A_592 : vector<1x16xf32> to vector<16xf32>
        %mul3A_594 = arith.constant 11.3137083 : f32
        %mul3A_595 = vector.broadcast %mul3A_594 : f32 to vector<16xf32>
        %mul3A_596 = arith.mulf %get3A_593, %mul3A_595 : vector<16xf32>
        %swap3A_597 = arith.index_cast %add3A_507 : i32 to index
        %swap3A_598 = arith.constant 112 : index
        %swap3A_599 = tpu.vector_load %arg6[%swap3A_597, %swap3A_598] {strides = array<i32>} : memref<640x128xf32, #tpu.memory_space<vmem>>, vector<1x16xf32>,
        %swap3A_600 = vector.shape_cast %swap3A_599 : vector<1x16xf32> to vector<16xf32>
        %swap3A_601 = vector.shape_cast %mul3A_596 : vector<16xf32> to vector<1x16xf32>
        tpu.vector_store %arg6[%swap3A_597, %swap3A_598], %swap3A_601 {strides = array<i32>} : memref<640x128xf32, #tpu.memory_space<vmem>>, vector<1x16xf32>,
      }
      %scan3A_472 = arith.constant 80 : i32
      %mul3A_473 = arith.constant 80 : i32
      %mul3A_474 = arith.muli %add3A_456, %mul3A_473 : i32
      %add3A_475 = arith.addi %mul3A_2, %mul3A_474 : i32
      %dma_start3A_476 = arith.constant 560 : i32
      %dma_start3A_477 = arith.constant 0 : i32
      %dma_start3A_478 = tpu.memref_slice %arg6[%dma_start3A_476, %dma_start3A_477] : memref<640x128xf32, #tpu.memory_space<vmem>> -> memref<80x128xf32, #tpu.memory_space<vmem>>
      %dma_start3A_479 = arith.constant 0 : i32
      %dma_start3A_480 = tpu.memref_slice %arg4[%add3A_475, %dma_start3A_479] : memref<204800x128xf32, #tpu.memory_space<hbm>> -> memref<80x128xf32, #tpu.memory_space<hbm>>
      %dma_start3A_481 = arith.constant 0 : i32
      %dma_start3A_482 = tpu.memref_slice %arg4[%add3A_475, %dma_start3A_481] : memref<204800x128xf32, #tpu.memory_space<hbm>> -> memref<80x128xf32, #tpu.memory_space<hbm>>
      %dma_start3A_483 = arith.constant 560 : i32
      %dma_start3A_484 = arith.constant 0 : i32
      %dma_start3A_485 = tpu.memref_slice %arg6[%dma_start3A_483, %dma_start3A_484] : memref<640x128xf32, #tpu.memory_space<vmem>> -> memref<80x128xf32, #tpu.memory_space<vmem>>
      tpu.enqueue_dma source(%dma_start3A_485 : memref<80x128xf32, #tpu.memory_space<vmem>>) target(%dma_start3A_482 : memref<80x128xf32, #tpu.memory_space<hbm>>) target_semaphore(%arg22 : memref<!tpu.dma_semaphore, #tpu.memory_space<semaphore_mem>>)
      %add3A_486 = arith.constant 4 : i32
      %add3A_487 = arith.addi %add3A_456, %add3A_486 : i32
      %ge3A_488 = arith.constant 8 : i32
      %ge3A_489 = arith.cmpi sge, %add3A_487, %ge3A_488 : i32
      %lt3A_490 = arith.constant 80 : i32
      %lt3A_491 = arith.cmpi slt, %add3A_487, %lt3A_490 : i32
      %and3A_492 = arith.andi %ge3A_489, %lt3A_491 : i1
      %convert_element_type3A_493 = arith.extui %and3A_492 : i1 to i32
      %cond3A_494 = arith.constant 0 : i32
      %cond3A_495 = arith.cmpi ne, %convert_element_type3A_493, %cond3A_494 : i32
      scf.if %cond3A_495 {
        %sub3A = arith.constant 8 : i32
        %sub3A_501 = arith.subi %add3A_487, %sub3A : i32
        %mul3A_502 = arith.constant 80 : i32
        %mul3A_503 = arith.muli %sub3A_501, %mul3A_502 : i32
        %add3A_504 = arith.addi %mul3A_2, %mul3A_503 : i32
        %dma_wait3A_505 = arith.constant 240 : i32
        %dma_wait3A_506 = arith.constant 0 : i32
        %dma_wait3A_507 = tpu.memref_slice %arg6[%dma_wait3A_505, %dma_wait3A_506] : memref<640x128xf32, #tpu.memory_space<vmem>> -> memref<80x128xf32, #tpu.memory_space<vmem>>
        %dma_wait3A_508 = arith.constant 0 : i32
        %dma_wait3A_509 = tpu.memref_slice %arg4[%add3A_504, %dma_wait3A_508] : memref<204800x128xf32, #tpu.memory_space<hbm>> -> memref<80x128xf32, #tpu.memory_space<hbm>>
        %dma_wait3A_510 = arith.constant 0 : i32
        %dma_wait3A_511 = tpu.memref_slice %arg4[%add3A_504, %dma_wait3A_510] : memref<204800x128xf32, #tpu.memory_space<hbm>> -> memref<80x128xf32, #tpu.memory_space<hbm>>
        %dma_wait3A_512 = arith.constant 240 : i32
        %dma_wait3A_513 = arith.constant 0 : i32
        %dma_wait3A_514 = tpu.memref_slice %arg6[%dma_wait3A_512, %dma_wait3A_513] : memref<640x128xf32, #tpu.memory_space<vmem>> -> memref<80x128xf32, #tpu.memory_space<vmem>>
        tpu.wait_dma2 semaphore(%arg18 : memref<!tpu.dma_semaphore, #tpu.memory_space<semaphore_mem>>) src(%dma_wait3A_514 : memref<80x128xf32, #tpu.memory_space<vmem>>) dst(%dma_wait3A_511 : memref<80x128xf32, #tpu.memory_space<hbm>>)
      } else {
      }
      %lt3A_496 = arith.constant 80 : i32
      %lt3A_497 = arith.cmpi slt, %add3A_487, %lt3A_496 : i32
      %convert_element_type3A_498 = arith.extui %lt3A_497 : i1 to i32
      %cond3A_499 = arith.constant 0 : i32
      %cond3A_500 = arith.cmpi ne, %convert_element_type3A_498, %cond3A_499 : i32
      scf.if %cond3A_500 {
        %mul3A_501 = arith.constant 80 : i32
        %mul3A_502 = arith.muli %add3A_487, %mul3A_501 : i32
        %add3A_503 = arith.constant 0 : i32
        %add3A_504 = arith.addi %mul3A_502, %add3A_503 : i32
        %dma_start3A_505 = arith.constant 240 : i32
        %dma_start3A_506 = arith.constant 0 : i32
        %dma_start3A_507 = tpu.memref_slice %arg6[%dma_start3A_505, %dma_start3A_506] : memref<640x128xf32, #tpu.memory_space<vmem>> -> memref<80x128xf32, #tpu.memory_space<vmem>>
        %dma_start3A_508 = tpu.memref_slice %arg5[%add3A_504] : memref<6400xi32, #tpu.memory_space<vmem>> -> memref<80xi32, #tpu.memory_space<vmem>>
        %dma_start3A_509 = arith.constant 0 : i32
        %dma_start3A_510 = arith.constant 0 : i32
        %dma_start3A_511 = tpu.memref_slice %arg3[%dma_start3A_509, %dma_start3A_510] : memref<100000x128xf32, #tpu.memory_space<hbm>> -> memref<100000x128xf32, #tpu.memory_space<hbm>>
        tpu.enqueue_indirect_dma source(%dma_start3A_511 : memref<100000x128xf32, #tpu.memory_space<hbm>>) target(%dma_start3A_507 : memref<80x128xf32, #tpu.memory_space<vmem>>) offsets(%dma_start3A_508 : memref<80xi32, #tpu.memory_space<vmem>>) semaphore(%arg10 : memref<!tpu.dma_semaphore, #tpu.memory_space<semaphore_mem>>)
      } else {
      }
    }
    %scan3A_37 = arith.constant 10 : i32
    %add3A_38 = arith.constant 5760 : i32
    %add3A_39 = arith.addi %mul3A_2, %add3A_38 : i32
    %dma_wait3A = arith.constant 0 : i32
    %dma_wait3A_40 = arith.constant 0 : i32
    %dma_wait3A_41 = tpu.memref_slice %arg6[%dma_wait3A, %dma_wait3A_40] : memref<640x128xf32, #tpu.memory_space<vmem>> -> memref<80x128xf32, #tpu.memory_space<vmem>>
    %dma_wait3A_42 = arith.constant 0 : i32
    %dma_wait3A_43 = tpu.memref_slice %arg4[%add3A_39, %dma_wait3A_42] : memref<204800x128xf32, #tpu.memory_space<hbm>> -> memref<80x128xf32, #tpu.memory_space<hbm>>
    %dma_wait3A_44 = arith.constant 0 : i32
    %dma_wait3A_45 = tpu.memref_slice %arg4[%add3A_39, %dma_wait3A_44] : memref<204800x128xf32, #tpu.memory_space<hbm>> -> memref<80x128xf32, #tpu.memory_space<hbm>>
    %dma_wait3A_46 = arith.constant 0 : i32
    %dma_wait3A_47 = arith.constant 0 : i32
    %dma_wait3A_48 = tpu.memref_slice %arg6[%dma_wait3A_46, %dma_wait3A_47] : memref<640x128xf32, #tpu.memory_space<vmem>> -> memref<80x128xf32, #tpu.memory_space<vmem>>
    tpu.wait_dma2 semaphore(%arg15 : memref<!tpu.dma_semaphore, #tpu.memory_space<semaphore_mem>>) src(%dma_wait3A_48 : memref<80x128xf32, #tpu.memory_space<vmem>>) dst(%dma_wait3A_45 : memref<80x128xf32, #tpu.memory_space<hbm>>)
    %add3A_49 = arith.constant 5840 : i32
    %add3A_50 = arith.addi %mul3A_2, %add3A_49 : i32
    %dma_wait3A_51 = arith.constant 80 : i32
    %dma_wait3A_52 = arith.constant 0 : i32
    %dma_wait3A_53 = tpu.memref_slice %arg6[%dma_wait3A_51, %dma_wait3A_52] : memref<640x128xf32, #tpu.memory_space<vmem>> -> memref<80x128xf32, #tpu.memory_space<vmem>>
    %dma_wait3A_54 = arith.constant 0 : i32
    %dma_wait3A_55 = tpu.memref_slice %arg4[%add3A_50, %dma_wait3A_54] : memref<204800x128xf32, #tpu.memory_space<hbm>> -> memref<80x128xf32, #tpu.memory_space<hbm>>
    %dma_wait3A_56 = arith.constant 0 : i32
    %dma_wait3A_57 = tpu.memref_slice %arg4[%add3A_50, %dma_wait3A_56] : memref<204800x128xf32, #tpu.memory_space<hbm>> -> memref<80x128xf32, #tpu.memory_space<hbm>>
    %dma_wait3A_58 = arith.constant 80 : i32
    %dma_wait3A_59 = arith.constant 0 : i32
    %dma_wait3A_60 = tpu.memref_slice %arg6[%dma_wait3A_58, %dma_wait3A_59] : memref<640x128xf32, #tpu.memory_space<vmem>> -> memref<80x128xf32, #tpu.memory_space<vmem>>
    tpu.wait_dma2 semaphore(%arg16 : memref<!tpu.dma_semaphore, #tpu.memory_space<semaphore_mem>>) src(%dma_wait3A_60 : memref<80x128xf32, #tpu.memory_space<vmem>>) dst(%dma_wait3A_57 : memref<80x128xf32, #tpu.memory_space<hbm>>)
    %add3A_61 = arith.constant 5920 : i32
    %add3A_62 = arith.addi %mul3A_2, %add3A_61 : i32
    %dma_wait3A_63 = arith.constant 160 : i32
    %dma_wait3A_64 = arith.constant 0 : i32
    %dma_wait3A_65 = tpu.memref_slice %arg6[%dma_wait3A_63, %dma_wait3A_64] : memref<640x128xf32, #tpu.memory_space<vmem>> -> memref<80x128xf32, #tpu.memory_space<vmem>>
    %dma_wait3A_66 = arith.constant 0 : i32
    %dma_wait3A_67 = tpu.memref_slice %arg4[%add3A_62, %dma_wait3A_66] : memref<204800x128xf32, #tpu.memory_space<hbm>> -> memref<80x128xf32, #tpu.memory_space<hbm>>
    %dma_wait3A_68 = arith.constant 0 : i32
    %dma_wait3A_69 = tpu.memref_slice %arg4[%add3A_62, %dma_wait3A_68] : memref<204800x128xf32, #tpu.memory_space<hbm>> -> memref<80x128xf32, #tpu.memory_space<hbm>>
    %dma_wait3A_70 = arith.constant 160 : i32
    %dma_wait3A_71 = arith.constant 0 : i32
    %dma_wait3A_72 = tpu.memref_slice %arg6[%dma_wait3A_70, %dma_wait3A_71] : memref<640x128xf32, #tpu.memory_space<vmem>> -> memref<80x128xf32, #tpu.memory_space<vmem>>
    tpu.wait_dma2 semaphore(%arg17 : memref<!tpu.dma_semaphore, #tpu.memory_space<semaphore_mem>>) src(%dma_wait3A_72 : memref<80x128xf32, #tpu.memory_space<vmem>>) dst(%dma_wait3A_69 : memref<80x128xf32, #tpu.memory_space<hbm>>)
    %add3A_73 = arith.constant 6000 : i32
    %add3A_74 = arith.addi %mul3A_2, %add3A_73 : i32
    %dma_wait3A_75 = arith.constant 240 : i32
    %dma_wait3A_76 = arith.constant 0 : i32
    %dma_wait3A_77 = tpu.memref_slice %arg6[%dma_wait3A_75, %dma_wait3A_76] : memref<640x128xf32, #tpu.memory_space<vmem>> -> memref<80x128xf32, #tpu.memory_space<vmem>>
    %dma_wait3A_78 = arith.constant 0 : i32
    %dma_wait3A_79 = tpu.memref_slice %arg4[%add3A_74, %dma_wait3A_78] : memref<204800x128xf32, #tpu.memory_space<hbm>> -> memref<80x128xf32, #tpu.memory_space<hbm>>
    %dma_wait3A_80 = arith.constant 0 : i32
    %dma_wait3A_81 = tpu.memref_slice %arg4[%add3A_74, %dma_wait3A_80] : memref<204800x128xf32, #tpu.memory_space<hbm>> -> memref<80x128xf32, #tpu.memory_space<hbm>>
    %dma_wait3A_82 = arith.constant 240 : i32
    %dma_wait3A_83 = arith.constant 0 : i32
    %dma_wait3A_84 = tpu.memref_slice %arg6[%dma_wait3A_82, %dma_wait3A_83] : memref<640x128xf32, #tpu.memory_space<vmem>> -> memref<80x128xf32, #tpu.memory_space<vmem>>
    tpu.wait_dma2 semaphore(%arg18 : memref<!tpu.dma_semaphore, #tpu.memory_space<semaphore_mem>>) src(%dma_wait3A_84 : memref<80x128xf32, #tpu.memory_space<vmem>>) dst(%dma_wait3A_81 : memref<80x128xf32, #tpu.memory_space<hbm>>)
    %add3A_85 = arith.constant 6080 : i32
    %add3A_86 = arith.addi %mul3A_2, %add3A_85 : i32
    %dma_wait3A_87 = arith.constant 320 : i32
    %dma_wait3A_88 = arith.constant 0 : i32
    %dma_wait3A_89 = tpu.memref_slice %arg6[%dma_wait3A_87, %dma_wait3A_88] : memref<640x128xf32, #tpu.memory_space<vmem>> -> memref<80x128xf32, #tpu.memory_space<vmem>>
    %dma_wait3A_90 = arith.constant 0 : i32
    %dma_wait3A_91 = tpu.memref_slice %arg4[%add3A_86, %dma_wait3A_90] : memref<204800x128xf32, #tpu.memory_space<hbm>> -> memref<80x128xf32, #tpu.memory_space<hbm>>
    %dma_wait3A_92 = arith.constant 0 : i32
    %dma_wait3A_93 = tpu.memref_slice %arg4[%add3A_86, %dma_wait3A_92] : memref<204800x128xf32, #tpu.memory_space<hbm>> -> memref<80x128xf32, #tpu.memory_space<hbm>>
    %dma_wait3A_94 = arith.constant 320 : i32
    %dma_wait3A_95 = arith.constant 0 : i32
    %dma_wait3A_96 = tpu.memref_slice %arg6[%dma_wait3A_94, %dma_wait3A_95] : memref<640x128xf32, #tpu.memory_space<vmem>> -> memref<80x128xf32, #tpu.memory_space<vmem>>
    tpu.wait_dma2 semaphore(%arg19 : memref<!tpu.dma_semaphore, #tpu.memory_space<semaphore_mem>>) src(%dma_wait3A_96 : memref<80x128xf32, #tpu.memory_space<vmem>>) dst(%dma_wait3A_93 : memref<80x128xf32, #tpu.memory_space<hbm>>)
    %add3A_97 = arith.constant 6160 : i32
    %add3A_98 = arith.addi %mul3A_2, %add3A_97 : i32
    %dma_wait3A_99 = arith.constant 400 : i32
    %dma_wait3A_100 = arith.constant 0 : i32
    %dma_wait3A_101 = tpu.memref_slice %arg6[%dma_wait3A_99, %dma_wait3A_100] : memref<640x128xf32, #tpu.memory_space<vmem>> -> memref<80x128xf32, #tpu.memory_space<vmem>>
    %dma_wait3A_102 = arith.constant 0 : i32
    %dma_wait3A_103 = tpu.memref_slice %arg4[%add3A_98, %dma_wait3A_102] : memref<204800x128xf32, #tpu.memory_space<hbm>> -> memref<80x128xf32, #tpu.memory_space<hbm>>
    %dma_wait3A_104 = arith.constant 0 : i32
    %dma_wait3A_105 = tpu.memref_slice %arg4[%add3A_98, %dma_wait3A_104] : memref<204800x128xf32, #tpu.memory_space<hbm>> -> memref<80x128xf32, #tpu.memory_space<hbm>>
    %dma_wait3A_106 = arith.constant 400 : i32
    %dma_wait3A_107 = arith.constant 0 : i32
    %dma_wait3A_108 = tpu.memref_slice %arg6[%dma_wait3A_106, %dma_wait3A_107] : memref<640x128xf32, #tpu.memory_space<vmem>> -> memref<80x128xf32, #tpu.memory_space<vmem>>
    tpu.wait_dma2 semaphore(%arg20 : memref<!tpu.dma_semaphore, #tpu.memory_space<semaphore_mem>>) src(%dma_wait3A_108 : memref<80x128xf32, #tpu.memory_space<vmem>>) dst(%dma_wait3A_105 : memref<80x128xf32, #tpu.memory_space<hbm>>)
    %add3A_109 = arith.constant 6240 : i32
    %add3A_110 = arith.addi %mul3A_2, %add3A_109 : i32
    %dma_wait3A_111 = arith.constant 480 : i32
    %dma_wait3A_112 = arith.constant 0 : i32
    %dma_wait3A_113 = tpu.memref_slice %arg6[%dma_wait3A_111, %dma_wait3A_112] : memref<640x128xf32, #tpu.memory_space<vmem>> -> memref<80x128xf32, #tpu.memory_space<vmem>>
    %dma_wait3A_114 = arith.constant 0 : i32
    %dma_wait3A_115 = tpu.memref_slice %arg4[%add3A_110, %dma_wait3A_114] : memref<204800x128xf32, #tpu.memory_space<hbm>> -> memref<80x128xf32, #tpu.memory_space<hbm>>
    %dma_wait3A_116 = arith.constant 0 : i32
    %dma_wait3A_117 = tpu.memref_slice %arg4[%add3A_110, %dma_wait3A_116] : memref<204800x128xf32, #tpu.memory_space<hbm>> -> memref<80x128xf32, #tpu.memory_space<hbm>>
    %dma_wait3A_118 = arith.constant 480 : i32
    %dma_wait3A_119 = arith.constant 0 : i32
    %dma_wait3A_120 = tpu.memref_slice %arg6[%dma_wait3A_118, %dma_wait3A_119] : memref<640x128xf32, #tpu.memory_space<vmem>> -> memref<80x128xf32, #tpu.memory_space<vmem>>
    tpu.wait_dma2 semaphore(%arg21 : memref<!tpu.dma_semaphore, #tpu.memory_space<semaphore_mem>>) src(%dma_wait3A_120 : memref<80x128xf32, #tpu.memory_space<vmem>>) dst(%dma_wait3A_117 : memref<80x128xf32, #tpu.memory_space<hbm>>)
    %add3A_121 = arith.constant 6320 : i32
    %add3A_122 = arith.addi %mul3A_2, %add3A_121 : i32
    %dma_wait3A_123 = arith.constant 560 : i32
    %dma_wait3A_124 = arith.constant 0 : i32
    %dma_wait3A_125 = tpu.memref_slice %arg6[%dma_wait3A_123, %dma_wait3A_124] : memref<640x128xf32, #tpu.memory_space<vmem>> -> memref<80x128xf32, #tpu.memory_space<vmem>>
    %dma_wait3A_126 = arith.constant 0 : i32
    %dma_wait3A_127 = tpu.memref_slice %arg4[%add3A_122, %dma_wait3A_126] : memref<204800x128xf32, #tpu.memory_space<hbm>> -> memref<80x128xf32, #tpu.memory_space<hbm>>
    %dma_wait3A_128 = arith.constant 0 : i32
    %dma_wait3A_129 = tpu.memref_slice %arg4[%add3A_122, %dma_wait3A_128] : memref<204800x128xf32, #tpu.memory_space<hbm>> -> memref<80x128xf32, #tpu.memory_space<hbm>>
    %dma_wait3A_130 = arith.constant 560 : i32
    %dma_wait3A_131 = arith.constant 0 : i32
    %dma_wait3A_132 = tpu.memref_slice %arg6[%dma_wait3A_130, %dma_wait3A_131] : memref<640x128xf32, #tpu.memory_space<vmem>> -> memref<80x128xf32, #tpu.memory_space<vmem>>
    tpu.wait_dma2 semaphore(%arg22 : memref<!tpu.dma_semaphore, #tpu.memory_space<semaphore_mem>>) src(%dma_wait3A_132 : memref<80x128xf32, #tpu.memory_space<vmem>>) dst(%dma_wait3A_129 : memref<80x128xf32, #tpu.memory_space<hbm>>)
    return
  }
}

</mosaic_0001>

<sc_bundles>
// kernel: kernel.3.cloned.1.call-start
scs
__scs_entry_jumppad:
0x0: {  	(pc) =	sbr.rel $0x88, $3  }
0x1: {  	(tag) =	ssettag $0x0;
	lr =	simm.s32 $0x1  }
0x2: {  	[smem:$0x3F9F] =	sst lr;
	_ =	strace $0xD0000000  }
0x3: {  	_ = 	snop  }
0x4: {  	_ = 	snop  }
0x5: {  	_ = 	snop  }
0x6: {  	_ = 	snop  }
0x7: {  	_ = 	snop  }
__scs_overlays_trampoline_lowered:
0x8: {  	[smem:$0x3FAE] =	sst s0  }
0x9: {  	[smem:$0x3FAF] =	sst s1  }
0xa: {  	[smem:$0x3FB0] =	sst s2  }
0xb: {  	[smem:$0x3FB1] =	sst s3  }
0xc: {  	[smem:$0x3FB2] =	sst s4  }
0xd: {  	[smem:$0x3FB3] =	sst s5  }
0xe: {  	[smem:$0x3FB4] =	sst s6  }
0xf: {  	[smem:$0x3FB5] =	sst s7  }
0x10: {  	[smem:$0x3FB6] =	sst s8  }
0x11: {  	[smem:$0x3FB7] =	sst s9;
	s0 =	simm.s32 @!p0 $0x0  }
0x12: {  	s1 =	sld [smem:$0x3F9D];
	s0 =	simm.s32 @p0 $0x1  }
0x13: {  	[smem:$0x3FB8] =	sst s0;
	s0 =	simm.s32 @!p1 $0x0  }
0x14: {  	s2 =	sld [smem:$0x3F9C];
	s0 =	simm.s32 @p1 $0x1  }
0x15: {  	[smem:$0x3FB9] =	sst s0;
	s0 =	simm.s32 @!p2 $0x0  }
0x16: {  	s3 =	sld [smem:$0x3FDB];
	s0 =	simm.s32 @p2 $0x1  }
0x17: {  	s4 =	simm.s32 $0x1BF5;
	[smem:$0x3FBB] =	sst s0  }
0x18: {  	s0 =	sld [smem:$0x3F9E];
	_ =	swait.ge [sflag:s4], $0x0  }
0x19: {  	s7 =	sld [smem:$0x3F9F]  }
0x1a: {  	s8 =	sadd.s32 $0xFFFFE003, lr  }
0x1b: {  	s9 =	sadd.s32 $0xFFFFFEF7, lr;
	s5 =	simm.s32 $0xFFFFFFFF;
	p2 =	slt.u32 s8, $0xFFFFF086  }
0x1c: {  	p1 =	slt.u32 s9, $0xF7A;
	s5 =	simm.s32 @!p2 $0x0  }
0x1d: {  	s5 =	simm.s32 @p1 $0x1;
	p0 =	seq.s32 s7, s2  }
0x1e: {  	s7 =	smul.u32 @!p0 $0xF7A, s2;
	p2 =	seq.s32 @!p0 s5, $0x0  }
0x1f: {  	s9 =	smul.u32 $0xF7A, s1;
	s8 =	simm.s32 @!p0 $0x1BF5;
	p2 =	por !p2, p0  }
0x20: {  	[sflag:s8] =	ssyncset.s32 @!p0 $0xFFFFF086;
	s6 =	sadd.s32 @!p0 s3, s7;
	s7 =	simm.s32 @!p0 $0x108  }
0x21: {  	s3 =	sadd.s32 s3, s9;
	s6 =	sadd.s32 @!p0 $0x88, s6;
	s7 =	simm.s32 @p2 $0x1082  }
0x22: {  	[simem:s7], [sflag:s8] =	dma.local @!p0 [hbm:s6], $0xF7A  }
0x23: {  	s9 =	sor.u32 $0xD0000000, s2;
	s6 =	simm.s32 $0x108;
	_ =	swait.ge @!p0 [sflag:s8], $0x0  }
0x24: {  	s3 =	sadd.s32 $0x88, s3;
	s6 =	simm.s32 @!p1 $0x1082;
	[sflag:s4] =	ssyncset.s32 $0xFFFFF086  }
0x25: {  	[simem:s6], [sflag:s4] =	dma.local [hbm:s3], $0xF7A  }
0x26: {  	[smem:$0x3F9F] =	sst s1;
	(tag) =	ssettag s2;
	_ =	strace s9  }
0x27: {  	s1 =	sld [smem:$0x3FAF]  }
0x28: {  	s2 =	sld [smem:$0x3FB0]  }
0x29: {  	s4 =	sld [smem:$0x3FB2]  }
0x2a: {  	p0 =	seq.s32 s5, $0x0;
	s5 =	sld [smem:$0x3FB3]  }
0x2b: {  	s6 =	sld [smem:$0x3FB4]  }
0x2c: {  	s7 =	sld [smem:$0x3FB5]  }
0x2d: {  	s3 =	simm.s32 $0x108;
	s8 =	sld [smem:$0x3FB6]  }
0x2e: {  	s3 =	simm.s32 @!p0 $0x1082;
	s9 =	sld [smem:$0x3FB7]  }
0x2f: {  	lr =	sadd.s32 s0, s3;
	s0 =	sld [smem:$0x3FAE]  }
0x30: {  	s3 =	sld [smem:$0x3FB1]  }
0x31: {  	[smem:$0x3FBA] =	sst s10  }
0x32: {  	s10 =	sld [smem:$0x3FB8];
	_ =	sdelay $0x3  }
0x33: {  	p0 =	seq.s32 s10, $0x1;
	s10 =	sld [smem:$0x3FBA];
	_ =	sdelay $0x3  }
0x34: {  	[smem:$0x3FBA] =	sst s10  }
0x35: {  	s10 =	sld [smem:$0x3FB9];
	_ =	sdelay $0x3  }
0x36: {  	p1 =	seq.s32 s10, $0x1;
	s10 =	sld [smem:$0x3FBA];
	_ =	sdelay $0x3  }
0x37: {  	[smem:$0x3FBA] =	sst s10  }
0x38: {  	s10 =	sld [smem:$0x3FBB]  }
0x39: {  	_ = 	snop;
	(pc) =	sbr.ind lr, $3  }
0x3a: {  	_ = 	snop  }
0x3b: {  	_ = 	snop  }
0x3c: {  	p2 =	seq.s32 s10, $0x1;
	s10 =	sld [smem:$0x3FBA]  }
0x3d: {  	_ =	shalt  }
0x3e: {  	_ =	shalt  }
0x3f: {  	_ =	shalt  }
0x40: {  	_ =	shalt  }
0x41: {  	_ =	shalt  }
0x42: {  	_ =	shalt  }
0x43: {  	_ =	shalt  }
0x44: {  	_ =	shalt  }
0x45: {  	_ =	shalt  }
0x46: {  	_ =	shalt  }
0x47: {  	_ =	shalt  }
0x48: {  	_ =	shalt  }
0x49: {  	_ =	shalt  }
0x4a: {  	_ =	shalt  }
0x4b: {  	_ =	shalt  }
0x4c: {  	_ =	shalt  }
0x4d: {  	_ =	shalt  }
0x4e: {  	_ =	shalt  }
0x4f: {  	_ =	shalt  }
0x50: {  	_ =	shalt  }
0x51: {  	_ =	shalt  }
0x52: {  	_ =	shalt  }
0x53: {  	_ =	shalt  }
0x54: {  	_ =	shalt  }
0x55: {  	_ =	shalt  }
0x56: {  	_ =	shalt  }
0x57: {  	_ =	shalt  }
0x58: {  	_ =	shalt  }
0x59: {  	_ =	shalt  }
0x5a: {  	_ =	shalt  }
0x5b: {  	_ =	shalt  }
0x5c: {  	_ =	shalt  }
0x5d: {  	_ =	shalt  }
0x5e: {  	_ =	shalt  }
0x5f: {  	_ =	shalt  }
0x60: {  	_ =	shalt  }
0x61: {  	_ =	shalt  }
0x62: {  	_ =	shalt  }
0x63: {  	_ =	shalt  }
0x64: {  	_ =	shalt  }
0x65: {  	_ =	shalt  }
0x66: {  	_ =	shalt  }
0x67: {  	_ =	shalt  }
0x68: {  	_ =	shalt  }
0x69: {  	_ =	shalt  }
0x6a: {  	_ =	shalt  }
0x6b: {  	_ =	shalt  }
0x6c: {  	_ =	shalt  }
0x6d: {  	_ =	shalt  }
0x6e: {  	_ =	shalt  }
0x6f: {  	_ =	shalt  }
0x70: {  	_ =	shalt  }
0x71: {  	_ =	shalt  }
0x72: {  	_ =	shalt  }
0x73: {  	_ =	shalt  }
0x74: {  	_ =	shalt  }
0x75: {  	_ =	shalt  }
0x76: {  	_ =	shalt  }
0x77: {  	_ =	shalt  }
0x78: {  	_ =	shalt  }
0x79: {  	_ =	shalt  }
0x7a: {  	_ =	shalt  }
0x7b: {  	_ =	shalt  }
0x7c: {  	_ =	shalt  }
0x7d: {  	_ =	shalt  }
0x7e: {  	_ =	shalt  }
0x7f: {  	_ =	shalt  }
0x80: {  	_ =	shalt  }
0x81: {  	_ =	shalt  }
0x82: {  	_ =	shalt  }
0x83: {  	_ =	shalt  }
0x84: {  	_ =	shalt  }
0x85: {  	_ =	shalt  }
0x86: {  	_ =	shalt  }
0x87: {  	_ =	shalt  }
.Lfunc_end0:
.L_simem_size_0:
called_computation_lowered:
.L_overlay_start_0:
0x88: {  	s2 =	sld [smem:$0x3FD9]  }
0x89: {  	s3 =	sld [smem:$0x3FFE];
	_ =	sdelay $0x1  }
0x8a: {  	s1 =	srdreg.scid  }
0x8b: {  	s0 =	sand.u32 $0x1, s1  }
0x8c: {  	s17 =	sshll.u32 s0, $0xA;
	s2 =	sadd.s32 s3, s2  }
0x8d: {  	s2 =	sadd.s32 s2, s17  }
0x8e: {  	[smem:$0x3FC6] =	sst s2  }
0x8f: {  	_ = 	snop  }
0x90: {  	s2 =	sld [smem:$0x3FC8]  }
0x91: {  	s18 =	sld [smem:$0x3FD0];
	(tm) =	ssettm $0x1  }
0x92: {  	s4 =	sld [smem:$0x3FFB];
	_ =	sdelay $0x3  }
0x93: {  	_ =	strace s4  }
0x94: {  	s4 =	sld [smem:$0x3FFC];
	_ =	sdelay $0x3  }
0x95: {  	_ =	strace s4  }
0x96: {  	s4 =	sld [smem:$0x3FFD];
	_ =	sdelay $0x3  }
0x97: {  	_ =	strace s4  }
0x98: {  	_ =	strace $0x8FFFFFFF  }
0x99: {  	s19 =	sld [smem:$0x3FDB];
	_ =	sdelay $0x1  }
0x9a: {  	s5 =	simm.s32 $_scs_section_size  }
0x9b: {  	s6 =	simm.s32 $_size__tile_overlayer_lowered;
	s7 =	simm.s32 $_tile_overlayer_lowered  }
0x9c: {  	s22 =	simm.s32 $0x1BFF;
	s21 =	sshll.u32 s7, $0x1;
	s4 =	sadd.s32 s5, s19  }
0x9d: {  	s8 =	simm.s32 $0x0;
	s20 =	sshll.u32 s6, $0x1;
	s6 =	sadd.s32 s21, s4  }
0x9e: {  	[timem:s8], [sflag:s22] =	dma.local [hbm:s6], s20  }
0x9f: {  	_ =	swait.ge [sflag:s22], s20  }
0xa0: {  	s5 =	ssub.s32 $0x0, s20;
	[sflag:s22] =	ssyncset.done $0x0  }
0xa1: {  	[sflag:s22] =	ssyncadd.s32 s5;
	_ =	sdelay $0x1  }
0xa2: {  	s23 =	simm.s32 $0x1B8B  }
0xa3: {  	_ =	swait.ge [sflag:s23], $0x1  }
0xa4: {  	[sflag:s23] =	ssyncset.done $0x0  }
0xa5: {  	s25 =	simm.s32 $0x1B8E;
	s24 =	sld [smem:$0x3FFE];
	[sflag:s23] =	ssyncadd.s32 $0xFFFFFFFF  }
0xa6: {  	s26 =	simm.s32 $execute0_lowered;
	[smem:$0x3FD2] =	sst s25  }
0xa7: {  	s6 =	sshll.u32 s26, $0x1;
	_ =	strace $0x80000046;
	[dreg:$0x1] =	wrdreg $0xFFFFFFFF  }
0xa8: {  	s28 =	simm.s32 $_size_execute0_lowered;
	s4 =	sadd.s32 s4, s6;
	[dreg:$0x0] =	wrdreg $0x0  }
0xa9: {  	s6 =	sshll.u32 s28, $0x1;
	[dreg:$0x2] =	wrdreg s4  }
0xaa: {  	[dreg:$0x3] =	wrdreg s6  }
0xab: {  	[dreg:$0x4] =	wrdreg $0xC0  }
0xac: {  	_ =	task [dreg:s8], $0x5FFFF  }
0xad: {  	[dreg:$0x1] =	wrdreg $0xFFFFFFFF  }
0xae: {  	[dreg:$0x0] =	wrdreg $0x60  }
0xaf: {  	[dreg:$0x2] =	wrdreg s24  }
0xb0: {  	[dreg:$0x3] =	wrdreg s2  }
0xb1: {  	[dreg:$0x4] =	wrdreg s18  }
0xb2: {  	[dreg:$0x5] =	wrdreg $0x9  }
0xb3: {  	_ =	task.clear_ibuf [dreg:s8], $0x6FFFF;
	_ =	strace $0x90000046  }
0xb4: {  	s29 =	simm.s32 $0x9;
	_ =	strace $0x80000048  }
0xb5: {  	_ =	swait.ge [sflag:s29], $0x1  }
0xb6: {  	[sflag:s29] =	ssyncadd.s32 $0xFFFFFFFF  }
0xb7: {  	_ =	strace $0x90000048  }
0xb8: {  	_ =	sfence  }
0xb9: {  	s30 =	sld [smem:$0x0];
	_ =	sdelay $0x2  }
0xba: {  	s31 =	sshll.u32 s1, $0xD;
	s1 =	sshrl.u32 s1, $0x2  }
0xbb: {  	s3 =	sand.u32 $0x4000, s31;
	s1 =	sadd.s32 s1, s30  }
0xbc: {  	s0 =	sor.u32 s3, s0;
	s1 =	sshll.u32 s1, $0x11  }
0xbd: {  	s0 =	sor.u32 s1, s0  }
0xbe: {  	s0 =	sadd.s32 $0x8F2B, s0  }
0xbf: {  	[sflag:s0] =	ssyncadd.remote.s32 $0x1  }
0xc0: {  	_ =	sfence.sel $0xFFFF  }
0xc1: {  	[dreg:$0x0] =	wrdreg $0xFFFFFFFF;
	(pc) =	sbr.abs _section_cstart, $3  }
0xc2: {  	[dreg:$0x1] =	wrdreg $0xFFFFFFFF  }
0xc3: {  	_ =	task.clear_ibuf [dreg:s8], $0x2FFFF;
	_ =	strace $0x9FFFFFFF  }
0xc4: {  	(tm) =	ssettm $0x7FFFFFFF  }
0xc5: {  	_ =	shalt  }
tec
execute0_lowered:
.L_overlay_start_1:
0x0: {  	(tag) =	ssettag $0x1  }
0x1: {  	s0 =	srdreg.scid;
	s2 =	stileid.u32  }
0x2: {  	s1 =	rddreg [dreg:$0x0];
	s5 =	simm.s32 $0x0;
	s12 =	simm.s32 $0x50  }
0x3: {  	s18 =	simm.s32 $0x9100;
	s19 =	simm.s32 $0x1;
	s20 =	simm.s32 $0xB900  }
0x4: {  	s21 =	simm.s32 $0x2;
	s22 =	simm.s32 $0xE100;
	s23 =	simm.s32 $0x3  }
0x5: {  	s24 =	simm.s32 $0x10900;
	s25 =	simm.s32 $0x4;
	s28 =	simm.s32 $0x5  }
0x6: {  	s29 =	simm.s32 $0x6;
	s30 =	simm.s32 $0x7;
	s31 =	simm.s32 $0x8  }
0x7: {  	s0 =	sand.u32 $0x1, s0;
	s3 =	sshll.u32 s2, $0x1;
	s2 =	rddreg [dreg:$0x1]  }
0x8: {  	s17 =	simm.s32 $0xC;
	[smem:$0x7FF] =	sst s5;
	s4 =	sor.u32 s0, s3  }
0x9: {  	s3 =	rddreg [dreg:$0x2];
	s0 =	ssub.s32 $0x2, s0;
	s4 =	smul.u32 $0x1900, s4  }
.Ltmp0:
0xa: {  	_ =	strace $0x80000047;
	s26 =	sshrl.u32 s0, $0x1;
	(pc) =	sbr.rel .LBB2_1-.Ltmp0, $4  }
0xb: {  	s0 =	ssub.s32 s0, s26;
	s26 =	simm.s32 $0x13100;
	s6 =	sshrl.u32 s4, $0x3  }
0xc: {  	s7 =	sor.u32 $0x50, s4;
	s0 =	smax.u32 s0, $0x1;
	s1 =	sadd.s32 s6, s1  }
0xd: {  	s8 =	sor.u32 $0xA0, s4;
	[dreg:$0x5] =	wrdreg s0;
	s1 =	sadd.s32 $0x400, s1  }
0xe: {  	s9 =	sor.u32 $0xF0, s4;
	s6 =	simm.s32 $0x0;
	[dreg:$0x4] =	wrdreg s1  }
.LBB2_20:
0xf: {  	s0 =	simm.s32 $0x9  }
0x10: {  	_ =	swait.ge [sflag:s0], $0x2800  }
0x11: {  	[sflag:s0] =	ssyncset.done $0x0  }
0x12: {  	s10 =	simm.s32 $0xA;
	[sflag:s0] =	ssyncadd.s32 $0xFFFFD800  }
0x13: {  	_ =	swait.ge [sflag:s10], $0x2800  }
0x14: {  	[sflag:s10] =	ssyncset.done $0x0  }
0x15: {  	s11 =	simm.s32 $0xB;
	[sflag:s10] =	ssyncadd.s32 $0xFFFFD800  }
0x16: {  	_ =	swait.ge [sflag:s11], $0x2800  }
0x17: {  	[sflag:s11] =	ssyncset.done $0x0  }
0x18: {  	[sflag:s11] =	ssyncadd.s32 $0xFFFFD800  }
0x19: {  	_ =	swait.ge [sflag:s17], $0x2800  }
0x1a: {  	[sflag:s17] =	ssyncset.done $0x0  }
0x1b: {  	s13 =	simm.s32 $0xD;
	[sflag:s17] =	ssyncadd.s32 $0xFFFFD800  }
0x1c: {  	_ =	swait.ge [sflag:s13], $0x2800  }
0x1d: {  	[sflag:s13] =	ssyncset.done $0x0  }
0x1e: {  	s14 =	simm.s32 $0xE;
	[sflag:s13] =	ssyncadd.s32 $0xFFFFD800  }
0x1f: {  	_ =	swait.ge [sflag:s14], $0x2800  }
0x20: {  	[sflag:s14] =	ssyncset.done $0x0  }
0x21: {  	s15 =	simm.s32 $0xF;
	[sflag:s14] =	ssyncadd.s32 $0xFFFFD800  }
0x22: {  	_ =	swait.ge [sflag:s15], $0x2800  }
0x23: {  	[sflag:s15] =	ssyncset.done $0x0  }
0x24: {  	s1 =	simm.s32 $0x10;
	[sflag:s15] =	ssyncadd.s32 $0xFFFFD800  }
0x25: {  	_ =	swait.ge [sflag:s1], $0x2800  }
0x26: {  	s6 =	rddreg [dreg:$0x6]  }
0x27: {  	s16 =	rddreg [dreg:$0x5];
	s6 =	sadd.s32 $0x1, s6  }
0x28: {  	p0 =	sne.s32 s6, s16  }
.Ltmp1:
0x29: {  	_ = 	snop;
	(pc) =	sbr.rel @!p0 .LBB2_21-.Ltmp1, $3  }
0x2a: {  	_ =	sdelay $0x1  }
0x2b: {  	[sflag:s1] =	ssyncset.done $0x0  }
0x2c: {  	[sflag:s1] =	ssyncadd.s32 $0xFFFFD800  }
.LBB2_1:
0x2d: {  	[dreg:$0x6] =	wrdreg s6  }
0x2e: {  	s0 =	rddreg [dreg:$0x4];
	s11 =	simm.s32 $0x11  }
0x2f: {  	[tilespmem:s5], [sflag:$0x11] =	stream.linear.gather [hbm4b:s0+s5], $0x1900, $0x38;
	[tilespmem:$0x15900] =	vst v63  }
0x30: {  	_ =	swait.ge [sflag:s11], $0x1900  }
0x31: {  	[sflag:s11] =	ssyncset.done $0x0  }
0x32: {  	s13 =	simm.s32 $0x1900;
	[sflag:s11] =	ssyncadd.s32 $0xFFFFE700  }
0x33: {  	[tilespmem:s13], [sflag:$0x1] =	stream.indirect.gather [hbm4b:s2+s12], $0x80, s5, s12, $0xb8;
	[tilespmem:$0x15900] =	vst v63  }
0x34: {  	s14 =	simm.s32 $0x4100  }
0x35: {  	[tilespmem:s14], [sflag:$0x2] =	stream.indirect.gather [hbm4b:s2+s12], $0x80, s12, s12, $0xb8;
	[tilespmem:$0x15900] =	vst v63  }
0x36: {  	s15 =	simm.s32 $0xA0;
	s1 =	simm.s32 $0x6900  }
0x37: {  	[tilespmem:s1], [sflag:$0x3] =	stream.indirect.gather [hbm4b:s2+s12], $0x80, s15, s12, $0xb8;
	[tilespmem:$0x15900] =	vst v63  }
0x38: {  	s16 =	simm.s32 $0xF0;
	s15 =	simm.s32 $0x0  }
0x39: {  	[tilespmem:s18], [sflag:$0x4] =	stream.indirect.gather [hbm4b:s2+s12], $0x80, s16, s12, $0xb8;
	[tilespmem:$0x15900] =	vst v63  }
.LBB2_2:
0x3a: {  	_ =	swait.ge [sflag:s19], $0x2800  }
0x3b: {  	[sflag:s19] =	ssyncset.done $0x0  }
0x3c: {  	s0 =	simm.s32 $0x0;
	[sflag:s19] =	ssyncadd.s32 $0xFFFFD800  }
0x3d: {  	v2 =	vld [tilespmem:s0+$0x1900]  }
0x3e: {  	v5 =	vld [tilespmem:s0+$0x1910]  }
0x3f: {  	v4 =	vld [tilespmem:s0+$0x1920]  }
0x40: {  	v3 =	vld [tilespmem:s0+$0x1930]  }
0x41: {  	v0 =	vld [tilespmem:s0+$0x1940]  }
0x42: {  	v1 =	vld [tilespmem:s0+$0x1950];
	v6 =	vmul.f32 $1.131370830e+01, v2  }
0x43: {  	s1 =	simm.s32 $0x200;
	v5 =	vmul.f32 $1.131370830e+01, v5;
	v2 =	vld [tilespmem:s0+$0x1960]  }
.LBB2_3:
0x44: {  	s6 =	sshra.s32 s1, $0x2;
	p0 =	sne.s32 s1, $0x9E00;
	[tilespmem:s0+$0x1900] =	vst v6;
	v4 =	vmul.f32 $1.131370830e+01, v4;
	v6 =	vld [tilespmem:s0+$0x1970]  }
0x45: {  	v7 =	vld [tilespmem:s6+$0x1900];
	[tilespmem:s0+$0x1910] =	vst v5;
	v3 =	vmul.f32 $1.131370830e+01, v3  }
0x46: {  	v5 =	vld [tilespmem:s6+$0x1910];
	[tilespmem:s0+$0x1920] =	vst v4;
	v0 =	vmul.f32 $1.131370830e+01, v0  }
.Ltmp2:
0x47: {  	v4 =	vld [tilespmem:s6+$0x1920];
	[tilespmem:s0+$0x1930] =	vst v3;
	v1 =	vmul.f32 $1.131370830e+01, v1;
	(pc) =	sbr.rel @p0 .LBB2_3-.Ltmp2, $4  }
0x48: {  	v3 =	vld [tilespmem:s6+$0x1930];
	[tilespmem:s0+$0x1940] =	vst v0;
	v2 =	vmul.f32 $1.131370830e+01, v2  }
0x49: {  	v0 =	vld [tilespmem:s6+$0x1940];
	[tilespmem:s0+$0x1950] =	vst v1;
	v8 =	vmul.f32 $1.131370830e+01, v6  }
0x4a: {  	v6 =	vmul.f32 $1.131370830e+01, v7;
	v1 =	vld [tilespmem:s6+$0x1950];
	[tilespmem:s0+$0x1960] =	vst v2  }
0x4b: {  	s1 =	sadd.s32 $0x200, s1;
	v5 =	vmul.f32 $1.131370830e+01, v5;
	v2 =	vld [tilespmem:s6+$0x1960];
	[tilespmem:s0+$0x1970] =	vst v8;
	s0 =	smov.u32 s6  }
0x4c: {  	[tilespmem:s0+$0x1900] =	vst v6;
	v4 =	vmul.f32 $1.131370830e+01, v4;
	v6 =	vld [tilespmem:s0+$0x1970]  }
0x4d: {  	[tilespmem:s0+$0x1910] =	vst v5;
	v3 =	vmul.f32 $1.131370830e+01, v3  }
0x4e: {  	[tilespmem:s0+$0x1920] =	vst v4;
	v0 =	vmul.f32 $1.131370830e+01, v0  }
0x4f: {  	s10 =	smul.u32 $0x280, s15;
	[tilespmem:s0+$0x1930] =	vst v3;
	v1 =	vmul.f32 $1.131370830e+01, v1  }
0x50: {  	[tilespmem:s0+$0x1940] =	vst v0;
	v0 =	vmul.f32 $1.131370830e+01, v2  }
0x51: {  	s1 =	sadd.s32 s4, s10;
	[tilespmem:s0+$0x1950] =	vst v1;
	v1 =	vmul.f32 $1.131370830e+01, v6  }
0x52: {  	s1 =	sshll.u32 s1, $0x4;
	[tilespmem:s0+$0x1960] =	vst v0  }
0x53: {  	s6 =	simm.s32 $0x1900;
	s1 =	sadd.s32 s3, s1;
	[tilespmem:s0+$0x1970] =	vst v1;
	s0 =	sshll.u32 s15, $0x3  }
0x54: {  	[hbm4b:s1+s5] =	stream.linear.scatter [tilespmem:s6], [sflag:$0x9], $0x2800, $0x38;
	[tilespmem:$0x15900] =	vst v63  }
0x55: {  	s14 =	sadd.s32 $0xFFFFFFF8, s0  }
0x56: {  	p0 =	sgt.u32 s14, $0x47  }
0x57: {  	s1 =	sor.u32 $0x4, s0;
	s6 =	simm.s32 @!p0 $0xD  }
0x58: {  	s11 =	smul.u32 $0x140, s1;
	_ =	swait.ge @!p0 [sflag:s6], $0x2800  }
0x59: {  	[sflag:s6] =	ssyncset.done @!p0 $0x0  }
0x5a: {  	s16 =	sshra.s32 s11, $0x2;
	[sflag:s6] =	ssyncadd.s32 @!p0 $0xFFFFD800  }
0x5b: {  	[tilespmem:s20], [sflag:$0x5] =	stream.indirect.gather [hbm4b:s2+s12], $0x80, s16, s12, $0xb8;
	[tilespmem:$0x15900] =	vst v63  }
0x5c: {  	_ =	swait.ge [sflag:s21], $0x2800  }
0x5d: {  	[sflag:s21] =	ssyncset.done $0x0  }
0x5e: {  	s6 =	simm.s32 $0x0;
	[sflag:s21] =	ssyncadd.s32 $0xFFFFD800  }
0x5f: {  	v3 =	vld [tilespmem:s6+$0x4100]  }
0x60: {  	v5 =	vld [tilespmem:s6+$0x4110]  }
0x61: {  	v4 =	vld [tilespmem:s6+$0x4120]  }
0x62: {  	v2 =	vld [tilespmem:s6+$0x4130]  }
0x63: {  	v0 =	vld [tilespmem:s6+$0x4140]  }
0x64: {  	v1 =	vld [tilespmem:s6+$0x4150];
	v6 =	vmul.f32 $1.131370830e+01, v3  }
0x65: {  	s11 =	simm.s32 $0x200;
	v5 =	vmul.f32 $1.131370830e+01, v5;
	v3 =	vld [tilespmem:s6+$0x4160]  }
.LBB2_5:
0x66: {  	s13 =	sshra.s32 s11, $0x2;
	p1 =	sne.s32 s11, $0x9E00;
	[tilespmem:s6+$0x4100] =	vst v6;
	v4 =	vmul.f32 $1.131370830e+01, v4;
	v6 =	vld [tilespmem:s6+$0x4170]  }
0x67: {  	v7 =	vld [tilespmem:s13+$0x4100];
	[tilespmem:s6+$0x4110] =	vst v5;
	v2 =	vmul.f32 $1.131370830e+01, v2  }
0x68: {  	v5 =	vld [tilespmem:s13+$0x4110];
	[tilespmem:s6+$0x4120] =	vst v4;
	v0 =	vmul.f32 $1.131370830e+01, v0  }
.Ltmp3:
0x69: {  	v4 =	vld [tilespmem:s13+$0x4120];
	[tilespmem:s6+$0x4130] =	vst v2;
	v1 =	vmul.f32 $1.131370830e+01, v1;
	(pc) =	sbr.rel @p1 .LBB2_5-.Ltmp3, $4  }
0x6a: {  	v2 =	vld [tilespmem:s13+$0x4130];
	[tilespmem:s6+$0x4140] =	vst v0;
	v3 =	vmul.f32 $1.131370830e+01, v3  }
0x6b: {  	v0 =	vld [tilespmem:s13+$0x4140];
	[tilespmem:s6+$0x4150] =	vst v1;
	v8 =	vmul.f32 $1.131370830e+01, v6  }
0x6c: {  	v6 =	vmul.f32 $1.131370830e+01, v7;
	v1 =	vld [tilespmem:s13+$0x4150];
	[tilespmem:s6+$0x4160] =	vst v3  }
0x6d: {  	s11 =	sadd.s32 $0x200, s11;
	v5 =	vmul.f32 $1.131370830e+01, v5;
	v3 =	vld [tilespmem:s13+$0x4160];
	[tilespmem:s6+$0x4170] =	vst v8;
	s6 =	smov.u32 s13  }
0x6e: {  	[tilespmem:s6+$0x4100] =	vst v6;
	v4 =	vmul.f32 $1.131370830e+01, v4;
	v6 =	vld [tilespmem:s6+$0x4170]  }
0x6f: {  	[tilespmem:s6+$0x4110] =	vst v5;
	v2 =	vmul.f32 $1.131370830e+01, v2  }
0x70: {  	[tilespmem:s6+$0x4120] =	vst v4;
	v0 =	vmul.f32 $1.131370830e+01, v0  }
0x71: {  	[tilespmem:s6+$0x4130] =	vst v2;
	v1 =	vmul.f32 $1.131370830e+01, v1  }
0x72: {  	[tilespmem:s6+$0x4140] =	vst v0;
	v0 =	vmul.f32 $1.131370830e+01, v3  }
0x73: {  	s11 =	sadd.s32 s10, s7;
	[tilespmem:s6+$0x4150] =	vst v1;
	v1 =	vmul.f32 $1.131370830e+01, v6  }
0x74: {  	s14 =	simm.s32 $0x4100;
	s11 =	sshll.u32 s11, $0x4;
	[tilespmem:s6+$0x4160] =	vst v0  }
0x75: {  	s13 =	sadd.s32 s3, s11;
	s11 =	sor.u32 $0x5, s0;
	[tilespmem:s6+$0x4170] =	vst v1;
	s6 =	simm.s32 @!p0 $0xE  }
0x76: {  	[hbm4b:s13+s5] =	stream.linear.scatter [tilespmem:s14], [sflag:$0xA], $0x2800, $0x38;
	[tilespmem:$0x15900] =	vst v63  }
0x77: {  	s13 =	smul.u32 $0x140, s11;
	_ =	swait.ge @!p0 [sflag:s6], $0x2800  }
0x78: {  	[sflag:s6] =	ssyncset.done @!p0 $0x0  }
0x79: {  	s16 =	sshra.s32 s13, $0x2;
	[sflag:s6] =	ssyncadd.s32 @!p0 $0xFFFFD800  }
0x7a: {  	[tilespmem:s22], [sflag:$0x6] =	stream.indirect.gather [hbm4b:s2+s12], $0x80, s16, s12, $0xb8;
	[tilespmem:$0x15900] =	vst v63  }
0x7b: {  	_ =	swait.ge [sflag:s23], $0x2800  }
0x7c: {  	[sflag:s23] =	ssyncset.done $0x0  }
0x7d: {  	s6 =	simm.s32 $0x0;
	[sflag:s23] =	ssyncadd.s32 $0xFFFFD800  }
0x7e: {  	v3 =	vld [tilespmem:s6+$0x6900]  }
0x7f: {  	v5 =	vld [tilespmem:s6+$0x6910]  }
0x80: {  	v4 =	vld [tilespmem:s6+$0x6920]  }
0x81: {  	v2 =	vld [tilespmem:s6+$0x6930]  }
0x82: {  	v0 =	vld [tilespmem:s6+$0x6940]  }
0x83: {  	v1 =	vld [tilespmem:s6+$0x6950];
	v6 =	vmul.f32 $1.131370830e+01, v3  }
0x84: {  	s13 =	simm.s32 $0x200;
	v5 =	vmul.f32 $1.131370830e+01, v5;
	v3 =	vld [tilespmem:s6+$0x6960]  }
.LBB2_7:
0x85: {  	s14 =	sshra.s32 s13, $0x2;
	p1 =	sne.s32 s13, $0x9E00;
	[tilespmem:s6+$0x6900] =	vst v6;
	v4 =	vmul.f32 $1.131370830e+01, v4;
	v6 =	vld [tilespmem:s6+$0x6970]  }
0x86: {  	v7 =	vld [tilespmem:s14+$0x6900];
	[tilespmem:s6+$0x6910] =	vst v5;
	v2 =	vmul.f32 $1.131370830e+01, v2  }
0x87: {  	v5 =	vld [tilespmem:s14+$0x6910];
	[tilespmem:s6+$0x6920] =	vst v4;
	v0 =	vmul.f32 $1.131370830e+01, v0  }
.Ltmp4:
0x88: {  	v4 =	vld [tilespmem:s14+$0x6920];
	[tilespmem:s6+$0x6930] =	vst v2;
	v1 =	vmul.f32 $1.131370830e+01, v1;
	(pc) =	sbr.rel @p1 .LBB2_7-.Ltmp4, $4  }
0x89: {  	v2 =	vld [tilespmem:s14+$0x6930];
	[tilespmem:s6+$0x6940] =	vst v0;
	v3 =	vmul.f32 $1.131370830e+01, v3  }
0x8a: {  	v0 =	vld [tilespmem:s14+$0x6940];
	[tilespmem:s6+$0x6950] =	vst v1;
	v8 =	vmul.f32 $1.131370830e+01, v6  }
0x8b: {  	v6 =	vmul.f32 $1.131370830e+01, v7;
	v1 =	vld [tilespmem:s14+$0x6950];
	[tilespmem:s6+$0x6960] =	vst v3  }
0x8c: {  	s13 =	sadd.s32 $0x200, s13;
	v5 =	vmul.f32 $1.131370830e+01, v5;
	v3 =	vld [tilespmem:s14+$0x6960];
	[tilespmem:s6+$0x6970] =	vst v8;
	s6 =	smov.u32 s14  }
0x8d: {  	[tilespmem:s6+$0x6900] =	vst v6;
	v4 =	vmul.f32 $1.131370830e+01, v4;
	v6 =	vld [tilespmem:s6+$0x6970]  }
0x8e: {  	[tilespmem:s6+$0x6910] =	vst v5;
	v2 =	vmul.f32 $1.131370830e+01, v2  }
0x8f: {  	[tilespmem:s6+$0x6920] =	vst v4;
	v0 =	vmul.f32 $1.131370830e+01, v0  }
0x90: {  	[tilespmem:s6+$0x6930] =	vst v2;
	v1 =	vmul.f32 $1.131370830e+01, v1  }
0x91: {  	[tilespmem:s6+$0x6940] =	vst v0;
	v0 =	vmul.f32 $1.131370830e+01, v3  }
0x92: {  	s13 =	sadd.s32 s10, s8;
	[tilespmem:s6+$0x6950] =	vst v1;
	v1 =	vmul.f32 $1.131370830e+01, v6  }
0x93: {  	s13 =	sshll.u32 s13, $0x4;
	[tilespmem:s6+$0x6960] =	vst v0  }
0x94: {  	s14 =	simm.s32 $0x6900;
	s13 =	sadd.s32 s3, s13;
	[tilespmem:s6+$0x6970] =	vst v1  }
0x95: {  	[hbm4b:s13+s5] =	stream.linear.scatter [tilespmem:s14], [sflag:$0xB], $0x2800, $0x38;
	[tilespmem:$0x15900] =	vst v63  }
0x96: {  	s6 =	sor.u32 $0x6, s0;
	s13 =	simm.s32 @!p0 $0xF  }
0x97: {  	s14 =	smul.u32 $0x140, s6;
	_ =	swait.ge @!p0 [sflag:s13], $0x2800  }
0x98: {  	[sflag:s13] =	ssyncset.done @!p0 $0x0  }
0x99: {  	s16 =	sshra.s32 s14, $0x2;
	[sflag:s13] =	ssyncadd.s32 @!p0 $0xFFFFD800  }
0x9a: {  	[tilespmem:s24], [sflag:$0x7] =	stream.indirect.gather [hbm4b:s2+s12], $0x80, s16, s12, $0xb8;
	[tilespmem:$0x15900] =	vst v63  }
0x9b: {  	_ =	swait.ge [sflag:s25], $0x2800  }
0x9c: {  	[sflag:s25] =	ssyncset.done $0x0  }
0x9d: {  	s13 =	simm.s32 $0x0;
	[sflag:s25] =	ssyncadd.s32 $0xFFFFD800  }
0x9e: {  	v3 =	vld [tilespmem:s13+$0x9100]  }
0x9f: {  	v5 =	vld [tilespmem:s13+$0x9110]  }
0xa0: {  	v4 =	vld [tilespmem:s13+$0x9120]  }
0xa1: {  	v2 =	vld [tilespmem:s13+$0x9130]  }
0xa2: {  	v0 =	vld [tilespmem:s13+$0x9140]  }
0xa3: {  	v1 =	vld [tilespmem:s13+$0x9150];
	v6 =	vmul.f32 $1.131370830e+01, v3  }
0xa4: {  	s14 =	simm.s32 $0x200;
	v5 =	vmul.f32 $1.131370830e+01, v5;
	v3 =	vld [tilespmem:s13+$0x9160]  }
.LBB2_9:
0xa5: {  	s16 =	sshra.s32 s14, $0x2;
	p0 =	sne.s32 s14, $0x9E00;
	[tilespmem:s13+$0x9100] =	vst v6;
	v4 =	vmul.f32 $1.131370830e+01, v4;
	v6 =	vld [tilespmem:s13+$0x9170]  }
0xa6: {  	v7 =	vld [tilespmem:s16+$0x9100];
	[tilespmem:s13+$0x9110] =	vst v5;
	v2 =	vmul.f32 $1.131370830e+01, v2  }
0xa7: {  	v5 =	vld [tilespmem:s16+$0x9110];
	[tilespmem:s13+$0x9120] =	vst v4;
	v0 =	vmul.f32 $1.131370830e+01, v0  }
.Ltmp5:
0xa8: {  	v4 =	vld [tilespmem:s16+$0x9120];
	[tilespmem:s13+$0x9130] =	vst v2;
	v1 =	vmul.f32 $1.131370830e+01, v1;
	(pc) =	sbr.rel @p0 .LBB2_9-.Ltmp5, $4  }
0xa9: {  	v2 =	vld [tilespmem:s16+$0x9130];
	[tilespmem:s13+$0x9140] =	vst v0;
	v3 =	vmul.f32 $1.131370830e+01, v3  }
0xaa: {  	v0 =	vld [tilespmem:s16+$0x9140];
	[tilespmem:s13+$0x9150] =	vst v1;
	v8 =	vmul.f32 $1.131370830e+01, v6  }
0xab: {  	v6 =	vmul.f32 $1.131370830e+01, v7;
	v1 =	vld [tilespmem:s16+$0x9150];
	[tilespmem:s13+$0x9160] =	vst v3  }
0xac: {  	s14 =	sadd.s32 $0x200, s14;
	v5 =	vmul.f32 $1.131370830e+01, v5;
	v3 =	vld [tilespmem:s16+$0x9160];
	[tilespmem:s13+$0x9170] =	vst v8;
	s13 =	smov.u32 s16  }
0xad: {  	[tilespmem:s13+$0x9100] =	vst v6;
	v4 =	vmul.f32 $1.131370830e+01, v4;
	v6 =	vld [tilespmem:s13+$0x9170]  }
0xae: {  	[tilespmem:s13+$0x9110] =	vst v5;
	v2 =	vmul.f32 $1.131370830e+01, v2  }
0xaf: {  	[tilespmem:s13+$0x9120] =	vst v4;
	v0 =	vmul.f32 $1.131370830e+01, v0  }
0xb0: {  	[tilespmem:s13+$0x9130] =	vst v2;
	v1 =	vmul.f32 $1.131370830e+01, v1  }
0xb1: {  	[tilespmem:s13+$0x9140] =	vst v0;
	v0 =	vmul.f32 $1.131370830e+01, v3  }
0xb2: {  	s10 =	sadd.s32 s10, s9;
	[tilespmem:s13+$0x9150] =	vst v1;
	v1 =	vmul.f32 $1.131370830e+01, v6  }
0xb3: {  	s10 =	sshll.u32 s10, $0x4;
	[tilespmem:s13+$0x9160] =	vst v0  }
0xb4: {  	p0 =	seq.s32 s15, $0x0;
	s10 =	sadd.s32 s3, s10;
	[tilespmem:s13+$0x9170] =	vst v1  }
0xb5: {  	[hbm4b:s10+s5] =	stream.linear.scatter [tilespmem:s18], [sflag:$0xC], $0x2800, $0x38;
	[tilespmem:$0x15900] =	vst v63  }
0xb6: {  	s10 =	sor.u32 $0x7, s0;
	s0 =	simm.s32 @!p0 $0x10  }
0xb7: {  	_ =	swait.ge @!p0 [sflag:s0], $0x2800;
	s14 =	smul.u32 $0x140, s10  }
0xb8: {  	[sflag:s0] =	ssyncset.done @!p0 $0x0  }
0xb9: {  	[sflag:s0] =	ssyncadd.s32 @!p0 $0xFFFFD800;
	s16 =	sshra.s32 s14, $0x2  }
0xba: {  	[tilespmem:s26], [sflag:$0x8] =	stream.indirect.gather [hbm4b:s2+s12], $0x80, s16, s12, $0xb8;
	[tilespmem:$0x15900] =	vst v63  }
0xbb: {  	_ =	swait.ge [sflag:s28], $0x2800  }
0xbc: {  	[sflag:s28] =	ssyncset.done $0x0  }
0xbd: {  	s0 =	simm.s32 $0x0;
	[sflag:s28] =	ssyncadd.s32 $0xFFFFD800  }
0xbe: {  	v2 =	vld [tilespmem:s0+$0xB900]  }
0xbf: {  	v5 =	vld [tilespmem:s0+$0xB910]  }
0xc0: {  	v4 =	vld [tilespmem:s0+$0xB920]  }
0xc1: {  	v3 =	vld [tilespmem:s0+$0xB930]  }
0xc2: {  	v0 =	vld [tilespmem:s0+$0xB940]  }
0xc3: {  	v1 =	vld [tilespmem:s0+$0xB950];
	v6 =	vmul.f32 $1.131370830e+01, v2  }
0xc4: {  	s13 =	simm.s32 $0x200;
	v5 =	vmul.f32 $1.131370830e+01, v5;
	v2 =	vld [tilespmem:s0+$0xB960]  }
.LBB2_11:
0xc5: {  	s14 =	sshra.s32 s13, $0x2;
	p0 =	sne.s32 s13, $0x9E00;
	[tilespmem:s0+$0xB900] =	vst v6;
	v4 =	vmul.f32 $1.131370830e+01, v4;
	v6 =	vld [tilespmem:s0+$0xB970]  }
0xc6: {  	v7 =	vld [tilespmem:s14+$0xB900];
	[tilespmem:s0+$0xB910] =	vst v5;
	v3 =	vmul.f32 $1.131370830e+01, v3  }
0xc7: {  	v5 =	vld [tilespmem:s14+$0xB910];
	[tilespmem:s0+$0xB920] =	vst v4;
	v0 =	vmul.f32 $1.131370830e+01, v0  }
.Ltmp6:
0xc8: {  	v4 =	vld [tilespmem:s14+$0xB920];
	[tilespmem:s0+$0xB930] =	vst v3;
	v1 =	vmul.f32 $1.131370830e+01, v1;
	(pc) =	sbr.rel @p0 .LBB2_11-.Ltmp6, $4  }
0xc9: {  	v3 =	vld [tilespmem:s14+$0xB930];
	[tilespmem:s0+$0xB940] =	vst v0;
	v2 =	vmul.f32 $1.131370830e+01, v2  }
0xca: {  	v0 =	vld [tilespmem:s14+$0xB940];
	[tilespmem:s0+$0xB950] =	vst v1;
	v8 =	vmul.f32 $1.131370830e+01, v6  }
0xcb: {  	v6 =	vmul.f32 $1.131370830e+01, v7;
	v1 =	vld [tilespmem:s14+$0xB950];
	[tilespmem:s0+$0xB960] =	vst v2  }
0xcc: {  	s13 =	sadd.s32 $0x200, s13;
	v5 =	vmul.f32 $1.131370830e+01, v5;
	v2 =	vld [tilespmem:s14+$0xB960];
	[tilespmem:s0+$0xB970] =	vst v8;
	s0 =	smov.u32 s14  }
0xcd: {  	[tilespmem:s0+$0xB900] =	vst v6;
	v4 =	vmul.f32 $1.131370830e+01, v4;
	v6 =	vld [tilespmem:s0+$0xB970]  }
0xce: {  	[tilespmem:s0+$0xB910] =	vst v5;
	v3 =	vmul.f32 $1.131370830e+01, v3  }
0xcf: {  	[tilespmem:s0+$0xB920] =	vst v4;
	v0 =	vmul.f32 $1.131370830e+01, v0  }
0xd0: {  	s1 =	smul.u32 $0x50, s1;
	[tilespmem:s0+$0xB930] =	vst v3;
	v1 =	vmul.f32 $1.131370830e+01, v1  }
0xd1: {  	[tilespmem:s0+$0xB940] =	vst v0;
	v0 =	vmul.f32 $1.131370830e+01, v2  }
0xd2: {  	s1 =	sadd.s32 s4, s1;
	[tilespmem:s0+$0xB950] =	vst v1;
	v1 =	vmul.f32 $1.131370830e+01, v6  }
0xd3: {  	p0 =	seq.s32 s15, $0x9;
	s1 =	sshll.u32 s1, $0x4;
	[tilespmem:s0+$0xB960] =	vst v0  }
0xd4: {  	s16 =	sadd.s32 s3, s1;
	[tilespmem:s0+$0xB970] =	vst v1;
	s0 =	simm.s32 @!p0 $0x9  }
0xd5: {  	[hbm4b:s16+s5] =	stream.linear.scatter [tilespmem:s20], [sflag:$0xD], $0x2800, $0x38;
	[tilespmem:$0x15900] =	vst v63  }
0xd6: {  	s1 =	smul.u32 @!p0 $0xA00, s15;
	_ =	swait.ge @!p0 [sflag:s0], $0x2800  }
0xd7: {  	[sflag:s0] =	ssyncset.done @!p0 $0x0  }
0xd8: {  	[sflag:s0] =	ssyncadd.s32 @!p0 $0xFFFFD800;
	s0 =	sshra.s32 @!p0 s1, $0x2  }
0xd9: {  	s13 =	simm.s32 @!p0 $0x50;
	s14 =	simm.s32 @!p0 $0x1900;
	s1 =	sadd.s32 @!p0 $0x280, s0  }
0xda: {  	[tilespmem:s14], [sflag:$0x1] =	stream.indirect.gather @!p0 [hbm4b:s2+s13], $0x80, s1, s13, $0xb8;
	[tilespmem:$0x15900] =	vst v63  }
0xdb: {  	_ =	swait.ge [sflag:s29], $0x2800  }
0xdc: {  	[sflag:s29] =	ssyncset.done $0x0  }
0xdd: {  	s1 =	simm.s32 $0x0;
	[sflag:s29] =	ssyncadd.s32 $0xFFFFD800  }
0xde: {  	v2 =	vld [tilespmem:s1+$0xE100]  }
0xdf: {  	v5 =	vld [tilespmem:s1+$0xE110]  }
0xe0: {  	v4 =	vld [tilespmem:s1+$0xE120]  }
0xe1: {  	v3 =	vld [tilespmem:s1+$0xE130]  }
0xe2: {  	v0 =	vld [tilespmem:s1+$0xE140]  }
0xe3: {  	v1 =	vld [tilespmem:s1+$0xE150];
	v6 =	vmul.f32 $1.131370830e+01, v2  }
0xe4: {  	s13 =	simm.s32 $0x200;
	v5 =	vmul.f32 $1.131370830e+01, v5;
	v2 =	vld [tilespmem:s1+$0xE160]  }
.LBB2_13:
0xe5: {  	s14 =	sshra.s32 s13, $0x2;
	p1 =	sne.s32 s13, $0x9E00;
	[tilespmem:s1+$0xE100] =	vst v6;
	v4 =	vmul.f32 $1.131370830e+01, v4;
	v6 =	vld [tilespmem:s1+$0xE170]  }
0xe6: {  	v7 =	vld [tilespmem:s14+$0xE100];
	[tilespmem:s1+$0xE110] =	vst v5;
	v3 =	vmul.f32 $1.131370830e+01, v3  }
0xe7: {  	v5 =	vld [tilespmem:s14+$0xE110];
	[tilespmem:s1+$0xE120] =	vst v4;
	v0 =	vmul.f32 $1.131370830e+01, v0  }
.Ltmp7:
0xe8: {  	v4 =	vld [tilespmem:s14+$0xE120];
	[tilespmem:s1+$0xE130] =	vst v3;
	v1 =	vmul.f32 $1.131370830e+01, v1;
	(pc) =	sbr.rel @p1 .LBB2_13-.Ltmp7, $4  }
0xe9: {  	v3 =	vld [tilespmem:s14+$0xE130];
	[tilespmem:s1+$0xE140] =	vst v0;
	v2 =	vmul.f32 $1.131370830e+01, v2  }
0xea: {  	v0 =	vld [tilespmem:s14+$0xE140];
	[tilespmem:s1+$0xE150] =	vst v1;
	v8 =	vmul.f32 $1.131370830e+01, v6  }
0xeb: {  	v6 =	vmul.f32 $1.131370830e+01, v7;
	v1 =	vld [tilespmem:s14+$0xE150];
	[tilespmem:s1+$0xE160] =	vst v2  }
0xec: {  	s13 =	sadd.s32 $0x200, s13;
	v5 =	vmul.f32 $1.131370830e+01, v5;
	v2 =	vld [tilespmem:s14+$0xE160];
	[tilespmem:s1+$0xE170] =	vst v8;
	s1 =	smov.u32 s14  }
0xed: {  	[tilespmem:s1+$0xE100] =	vst v6;
	v4 =	vmul.f32 $1.131370830e+01, v4;
	v6 =	vld [tilespmem:s1+$0xE170]  }
0xee: {  	[tilespmem:s1+$0xE110] =	vst v5;
	v3 =	vmul.f32 $1.131370830e+01, v3  }
0xef: {  	[tilespmem:s1+$0xE120] =	vst v4;
	v0 =	vmul.f32 $1.131370830e+01, v0  }
0xf0: {  	s11 =	smul.u32 $0x50, s11;
	[tilespmem:s1+$0xE130] =	vst v3;
	v1 =	vmul.f32 $1.131370830e+01, v1  }
0xf1: {  	[tilespmem:s1+$0xE140] =	vst v0;
	v0 =	vmul.f32 $1.131370830e+01, v2  }
0xf2: {  	s11 =	sadd.s32 s4, s11;
	[tilespmem:s1+$0xE150] =	vst v1;
	v1 =	vmul.f32 $1.131370830e+01, v6  }
0xf3: {  	s11 =	sshll.u32 s11, $0x4;
	[tilespmem:s1+$0xE160] =	vst v0  }
0xf4: {  	s16 =	sadd.s32 s3, s11;
	[tilespmem:s1+$0xE170] =	vst v1;
	s1 =	simm.s32 @!p0 $0xA  }
0xf5: {  	[hbm4b:s16+s5] =	stream.linear.scatter [tilespmem:s22], [sflag:$0xE], $0x2800, $0x38;
	[tilespmem:$0x15900] =	vst v63  }
0xf6: {  	_ =	swait.ge @!p0 [sflag:s1], $0x2800  }
0xf7: {  	s13 =	simm.s32 @!p0 $0x4100;
	[sflag:s1] =	ssyncset.done @!p0 $0x0  }
0xf8: {  	s11 =	simm.s32 @!p0 $0x50;
	[sflag:s1] =	ssyncadd.s32 @!p0 $0xFFFFD800;
	s1 =	sadd.s32 @!p0 $0x2D0, s0  }
0xf9: {  	[tilespmem:s13], [sflag:$0x2] =	stream.indirect.gather @!p0 [hbm4b:s2+s11], $0x80, s1, s11, $0xb8;
	[tilespmem:$0x15900] =	vst v63  }
0xfa: {  	_ =	swait.ge [sflag:s30], $0x2800  }
0xfb: {  	[sflag:s30] =	ssyncset.done $0x0  }
0xfc: {  	s1 =	simm.s32 $0x0;
	[sflag:s30] =	ssyncadd.s32 $0xFFFFD800  }
0xfd: {  	v2 =	vld [tilespmem:s1+$0x10900]  }
0xfe: {  	v5 =	vld [tilespmem:s1+$0x10910]  }
0xff: {  	v4 =	vld [tilespmem:s1+$0x10920]  }
0x100: {  	v3 =	vld [tilespmem:s1+$0x10930]  }
0x101: {  	v0 =	vld [tilespmem:s1+$0x10940]  }
0x102: {  	v1 =	vld [tilespmem:s1+$0x10950];
	v6 =	vmul.f32 $1.131370830e+01, v2  }
0x103: {  	s11 =	simm.s32 $0x200;
	v5 =	vmul.f32 $1.131370830e+01, v5;
	v2 =	vld [tilespmem:s1+$0x10960]  }
.LBB2_15:
0x104: {  	s13 =	sshra.s32 s11, $0x2;
	p1 =	sne.s32 s11, $0x9E00;
	[tilespmem:s1+$0x10900] =	vst v6;
	v4 =	vmul.f32 $1.131370830e+01, v4;
	v6 =	vld [tilespmem:s1+$0x10970]  }
0x105: {  	v7 =	vld [tilespmem:s13+$0x10900];
	[tilespmem:s1+$0x10910] =	vst v5;
	v3 =	vmul.f32 $1.131370830e+01, v3  }
0x106: {  	v5 =	vld [tilespmem:s13+$0x10910];
	[tilespmem:s1+$0x10920] =	vst v4;
	v0 =	vmul.f32 $1.131370830e+01, v0  }
.Ltmp8:
0x107: {  	v4 =	vld [tilespmem:s13+$0x10920];
	[tilespmem:s1+$0x10930] =	vst v3;
	v1 =	vmul.f32 $1.131370830e+01, v1;
	(pc) =	sbr.rel @p1 .LBB2_15-.Ltmp8, $4  }
0x108: {  	v3 =	vld [tilespmem:s13+$0x10930];
	[tilespmem:s1+$0x10940] =	vst v0;
	v2 =	vmul.f32 $1.131370830e+01, v2  }
0x109: {  	v0 =	vld [tilespmem:s13+$0x10940];
	[tilespmem:s1+$0x10950] =	vst v1;
	v8 =	vmul.f32 $1.131370830e+01, v6  }
0x10a: {  	v6 =	vmul.f32 $1.131370830e+01, v7;
	v1 =	vld [tilespmem:s13+$0x10950];
	[tilespmem:s1+$0x10960] =	vst v2  }
0x10b: {  	s11 =	sadd.s32 $0x200, s11;
	v5 =	vmul.f32 $1.131370830e+01, v5;
	v2 =	vld [tilespmem:s13+$0x10960];
	[tilespmem:s1+$0x10970] =	vst v8;
	s1 =	smov.u32 s13  }
0x10c: {  	[tilespmem:s1+$0x10900] =	vst v6;
	v4 =	vmul.f32 $1.131370830e+01, v4;
	v6 =	vld [tilespmem:s1+$0x10970]  }
0x10d: {  	[tilespmem:s1+$0x10910] =	vst v5;
	v3 =	vmul.f32 $1.131370830e+01, v3  }
0x10e: {  	[tilespmem:s1+$0x10920] =	vst v4;
	v0 =	vmul.f32 $1.131370830e+01, v0  }
0x10f: {  	s6 =	smul.u32 $0x50, s6;
	[tilespmem:s1+$0x10930] =	vst v3;
	v1 =	vmul.f32 $1.131370830e+01, v1  }
0x110: {  	[tilespmem:s1+$0x10940] =	vst v0;
	v0 =	vmul.f32 $1.131370830e+01, v2  }
0x111: {  	s6 =	sadd.s32 s4, s6;
	[tilespmem:s1+$0x10950] =	vst v1;
	v1 =	vmul.f32 $1.131370830e+01, v6  }
0x112: {  	s6 =	sshll.u32 s6, $0x4;
	[tilespmem:s1+$0x10960] =	vst v0  }
0x113: {  	s16 =	sadd.s32 s3, s6;
	[tilespmem:s1+$0x10970] =	vst v1;
	s1 =	simm.s32 @!p0 $0xB  }
0x114: {  	[hbm4b:s16+s5] =	stream.linear.scatter [tilespmem:s24], [sflag:$0xF], $0x2800, $0x38;
	[tilespmem:$0x15900] =	vst v63  }
0x115: {  	_ =	swait.ge @!p0 [sflag:s1], $0x2800  }
0x116: {  	s0 =	sadd.s32 @!p0 $0x320, s0;
	[sflag:s1] =	ssyncset.done @!p0 $0x0  }
0x117: {  	s6 =	simm.s32 @!p0 $0x6900;
	[sflag:s1] =	ssyncadd.s32 @!p0 $0xFFFFD800;
	s1 =	simm.s32 @!p0 $0x50  }
0x118: {  	[tilespmem:s6], [sflag:$0x3] =	stream.indirect.gather @!p0 [hbm4b:s2+s1], $0x80, s0, s1, $0xb8;
	[tilespmem:$0x15900] =	vst v63  }
0x119: {  	_ =	swait.ge [sflag:s31], $0x2800  }
0x11a: {  	[sflag:s31] =	ssyncset.done $0x0  }
0x11b: {  	s0 =	simm.s32 $0x0;
	[sflag:s31] =	ssyncadd.s32 $0xFFFFD800  }
0x11c: {  	v2 =	vld [tilespmem:s0+$0x13100]  }
0x11d: {  	v5 =	vld [tilespmem:s0+$0x13110]  }
0x11e: {  	v4 =	vld [tilespmem:s0+$0x13120]  }
0x11f: {  	v3 =	vld [tilespmem:s0+$0x13130]  }
0x120: {  	v0 =	vld [tilespmem:s0+$0x13140]  }
0x121: {  	v1 =	vld [tilespmem:s0+$0x13150];
	v6 =	vmul.f32 $1.131370830e+01, v2  }
0x122: {  	s1 =	simm.s32 $0x200;
	v5 =	vmul.f32 $1.131370830e+01, v5;
	v2 =	vld [tilespmem:s0+$0x13160]  }
.LBB2_17:
0x123: {  	s6 =	sshra.s32 s1, $0x2;
	p1 =	sne.s32 s1, $0x9E00;
	[tilespmem:s0+$0x13100] =	vst v6;
	v4 =	vmul.f32 $1.131370830e+01, v4;
	v6 =	vld [tilespmem:s0+$0x13170]  }
0x124: {  	v7 =	vld [tilespmem:s6+$0x13100];
	[tilespmem:s0+$0x13110] =	vst v5;
	v3 =	vmul.f32 $1.131370830e+01, v3  }
0x125: {  	v5 =	vld [tilespmem:s6+$0x13110];
	[tilespmem:s0+$0x13120] =	vst v4;
	v0 =	vmul.f32 $1.131370830e+01, v0  }
.Ltmp9:
0x126: {  	v4 =	vld [tilespmem:s6+$0x13120];
	[tilespmem:s0+$0x13130] =	vst v3;
	v1 =	vmul.f32 $1.131370830e+01, v1;
	(pc) =	sbr.rel @p1 .LBB2_17-.Ltmp9, $4  }
0x127: {  	v3 =	vld [tilespmem:s6+$0x13130];
	[tilespmem:s0+$0x13140] =	vst v0;
	v2 =	vmul.f32 $1.131370830e+01, v2  }
0x128: {  	v0 =	vld [tilespmem:s6+$0x13140];
	[tilespmem:s0+$0x13150] =	vst v1;
	v8 =	vmul.f32 $1.131370830e+01, v6  }
0x129: {  	v6 =	vmul.f32 $1.131370830e+01, v7;
	v1 =	vld [tilespmem:s6+$0x13150];
	[tilespmem:s0+$0x13160] =	vst v2  }
0x12a: {  	s1 =	sadd.s32 $0x200, s1;
	v5 =	vmul.f32 $1.131370830e+01, v5;
	v2 =	vld [tilespmem:s6+$0x13160];
	[tilespmem:s0+$0x13170] =	vst v8;
	s0 =	smov.u32 s6  }
0x12b: {  	[tilespmem:s0+$0x13100] =	vst v6;
	v4 =	vmul.f32 $1.131370830e+01, v4;
	v61 =	vld [tilespmem:s0+$0x13170]  }
0x12c: {  	[tilespmem:s0+$0x13110] =	vst v5;
	v3 =	vmul.f32 $1.131370830e+01, v3  }
0x12d: {  	[tilespmem:s0+$0x13120] =	vst v4;
	v0 =	vmul.f32 $1.131370830e+01, v0  }
0x12e: {  	s1 =	smul.u32 $0x50, s10;
	[tilespmem:s0+$0x13130] =	vst v3;
	v1 =	vmul.f32 $1.131370830e+01, v1  }
.Ltmp10:
0x12f: {  	[tilespmem:s0+$0x13140] =	vst v0;
	v62 =	vmul.f32 $1.131370830e+01, v2;
	(pc) =	sbr.rel @p0 .LBB2_20-.Ltmp10, $4  }
0x130: {  	s1 =	sadd.s32 s4, s1;
	[tilespmem:s0+$0x13150] =	vst v1;
	v63 =	vmul.f32 $1.131370830e+01, v61  }
0x131: {  	s1 =	sshll.u32 s1, $0x4;
	[tilespmem:s0+$0x13160] =	vst v62  }
0x132: {  	s16 =	sadd.s32 s3, s1;
	[tilespmem:s0+$0x13170] =	vst v63  }
0x133: {  	[hbm4b:s16+s5] =	stream.linear.scatter [tilespmem:s26], [sflag:$0x10], $0x2800, $0x38;
	[tilespmem:$0x15900] =	vst v63  }
0x134: {  	s0 =	smul.u32 $0xA00, s15  }
.Ltmp11:
0x135: {  	_ = 	snop;
	(pc) =	sbr.rel .LBB2_2-.Ltmp11, $4  }
0x136: {  	_ =	swait.ge [sflag:s17], $0x2800  }
0x137: {  	[sflag:s17] =	ssyncset.done $0x0;
	s0 =	sshra.s32 s0, $0x2  }
0x138: {  	s15 =	sadd.s32 $0x1, s15;
	[sflag:s17] =	ssyncadd.s32 $0xFFFFD800;
	s0 =	sadd.s32 $0x370, s0  }
0x139: {  	[tilespmem:s18], [sflag:$0x4] =	stream.indirect.gather [hbm4b:s2+s12], $0x80, s0, s12, $0xb8;
	[tilespmem:$0x15900] =	vst v63  }
.LBB2_21:
0x13a: {  	_ =	sfence.sel $0x180000  }
0x13b: {  	[bflag:$0x0] =	sbarrier.arrive $0xFFFF  }
0x13c: {  	_ =	strace $0x90000047  }
0x13d: {  	s0 =	stileid.u32;
	[bflag:$0x2] =	sbarrier.arrive $0xFFFF  }
0x13e: {  	p0 =	sne.s32 s0, $0x0;
	s0 =	rddreg [dreg:$0x3]  }
0x13f: {  	s0 =	sadd.s32 @!p0 $0x100000, s0  }
0x140: {  	[sflag:s0] =	ssyncadd.tile.s32 @!p0 $0x1;
	_ =	shalt  }
.Lfunc_end2:
_tile_overlayer_lowered:
.L_overlay_start_2:
0x141: {  	(tag) =	ssettag $0x2  }
0x142: {  	s0 =	rddreg [dreg:$0x0];
	s2 =	stileid.u32  }
0x143: {  	s1 =	rddreg [dreg:$0x1];
	p0 =	sne.s32 s2, $0x0  }
0x144: {  	s3 =	rddreg [dreg:$0x2];
	[bflag:$0x3] =	sbarrier.arrive $0xFFFF;
	s2 =	simm.s32 @!p0 $0x1C11  }
0x145: {  	[timem:s3], [sflag:s2] =	dma.local @!p0 [hbm:s0], s1  }
0x146: {  	s0 =	simm.s32 @!p0 $0x11  }
0x147: {  	_ =	swait.ge @!p0 [sflag:s0], s1  }
0x148: {  	s1 =	ssub.s32 @!p0 $0x0, s1;
	[sflag:s0] =	ssyncset.done @!p0 $0x0  }
0x149: {  	[sflag:s0] =	ssyncadd.s32 @!p0 s1  }
0x14a: {  	[bflag:$0x3] =	sbarrier.arrive $0xFFFF  }
0x14b: {  	_ =	shalt  }

</sc_bundles>
